<compile_context>
chip_gen: v7x
topology: tpu7x:2x2x1
jax: 0.10.2.dev20260603
libtpu: 0.0.44.dev20260713+nightly
codegen_flags: <defaults>
</compile_context>

<pallas_src>
import dataclasses
import functools

import jax
import jax.numpy as jnp
from jax import lax
from jax.experimental import pallas as pl
from jax.experimental.pallas import tpu as pltpu
from jax.experimental.pallas import tpu_sc as plsc

N = 10000
E = 320000
D = 128

NC = 2
NS = 16
NW = NC * NS
L = 16

C = 64
CHUNKS = 160
EPW = C * CHUNKS
EP = EPW * NW

NPAD = 10112
ZROWS = NPAD // NS
DUMMY = N
NDEG = 10240

R = 1000


def _sc_segment_sums(feat, srcf, dstf, zrows):
    mesh = plsc.VectorSubcoreMesh(core_axis_name="c", subcore_axis_name="s")
    cp = pltpu.CompilerParams()
    if "needs_layout_passes" in pltpu.CompilerParams.__dataclass_fields__:
        cp = dataclasses.replace(cp, needs_layout_passes=False)

    @functools.partial(
        pl.kernel,
        compiler_params=cp,
        out_type=(
            jax.ShapeDtypeStruct((NC, NPAD, D), jnp.float32),
            jax.ShapeDtypeStruct((NW * NDEG,), jnp.float32),
        ),
        mesh=mesh,
        scratch_types=[
            pltpu.VMEM_SHARED((NPAD, D), jnp.float32),
            [pltpu.VMEM((C,), jnp.int32) for _ in range(4)],
            [pltpu.VMEM((C,), jnp.int32) for _ in range(4)],
            [pltpu.VMEM((C, D), jnp.float32) for _ in range(4)],
            pltpu.VMEM((NDEG,), jnp.float32),
            [pltpu.SemaphoreType.DMA for _ in range(4)],
            [pltpu.SemaphoreType.DMA for _ in range(4)],
            [pltpu.SemaphoreType.DMA for _ in range(4)],
        ],
    )
    def k(feat_hbm, srcf_hbm, dstf_hbm, zrows_hbm, nsum_hbm, deg_hbm,
          acc, sidx, didx, rows, degl, gsems, ssems, isems):
        c = lax.axis_index("c")
        s = lax.axis_index("s")
        w = c * NS + s
        base = w * EPW

        @pl.loop(0, NDEG // L)
        def _(i):
            degl[pl.ds(i * L, L)] = jnp.zeros((L,), jnp.float32)

        pltpu.sync_copy(zrows_hbm, acc.at[pl.ds(s * ZROWS, ZROWS)])
        plsc.subcore_barrier()

        ones_vec = jnp.full((L,), 1.0, jnp.float32)

        gath = tuple(pltpu.make_async_copy(feat_hbm.at[sidx[b]], rows[b],
                                           gsems[b]) for b in range(4))
        sct = tuple(pltpu.make_async_copy(rows[b], acc.at[didx[b]],
                                          ssems[b]) for b in range(4))

        def ifetch(j, b):
            pltpu.async_copy(srcf_hbm.at[pl.ds(base + j * C, C)],
                             sidx[b], isems[b])
            pltpu.async_copy(dstf_hbm.at[pl.ds(base + j * C, C)],
                             didx[b], isems[b])

        def iwait(b):
            pltpu.make_async_copy(
                srcf_hbm.at[pl.ds(0, C)], sidx[b], isems[b]).wait()
            pltpu.make_async_copy(
                dstf_hbm.at[pl.ds(0, C)], didx[b], isems[b]).wait()

        def deg(b):
            for kk in range(C // L):
                dvec = didx[b][pl.ds(kk * L, L)]
                plsc.addupdate_scatter(degl, [dvec], ones_vec)

        ifetch(0, 0)
        ifetch(1, 1)
        iwait(0)
        gath[0].start()
        ifetch(2, 2)
        iwait(1)
        gath[1].start()
        gath[0].wait()
        sct[0].start(add=True)
        deg(0)
        ifetch(3, 3)
        iwait(2)
        gath[2].start()
        gath[1].wait()
        sct[1].start(add=True)
        deg(1)

        @pl.loop(2, CHUNKS - 2, step=4)
        def _(j):
            for kk in range(4):
                b = (2 + kk) % 4
                bp1 = (b + 1) % 4
                bm2 = (b + 2) % 4
                sct[bm2].wait()
                ifetch(j + kk + 2, bm2)
                iwait(bp1)
                gath[bp1].start()
                gath[b].wait()
                sct[b].start(add=True)
                deg(b)

        sct[0].wait()
        iwait(3)
        gath[3].start()
        gath[2].wait()
        sct[2].start(add=True)
        deg(2)
        sct[1].wait()
        gath[3].wait()
        sct[3].start(add=True)
        deg(3)
        sct[2].wait()
        sct[3].wait()

        plsc.subcore_barrier()

        pltpu.sync_copy(acc.at[pl.ds(s * ZROWS, ZROWS)],
                        nsum_hbm.at[c, pl.ds(s * ZROWS, ZROWS)])
        pltpu.sync_copy(degl, deg_hbm.at[pl.ds(w * NDEG, NDEG)])

    return k(feat, srcf, dstf, zrows)


def _tc_deg_recip(degp):

    def body(d_ref, o_ref):
        o_ref[...] = 1.0 / jnp.maximum(jnp.sum(d_ref[...], axis=0), 1.0)

    return pl.pallas_call(
        body,
        out_shape=jax.ShapeDtypeStruct((NDEG // D, D), jnp.float32),
    )(degp)


def _tc_combine(feat, nsum, recip, ws_t, wn_t):

    def body(feat_ref, n_ref, r_ref, ws_ref, wn_ref, o_ref):
        h = (n_ref[0] + n_ref[1]) * r_ref[...]
        o_ref[...] = (
            jnp.dot(feat_ref[...], ws_ref[...],
                    preferred_element_type=jnp.float32)
            + jnp.dot(h, wn_ref[...], preferred_element_type=jnp.float32))

    return pl.pallas_call(
        body,
        grid=(N // R,),
        in_specs=[
            pl.BlockSpec((R, D), lambda i: (i, 0)),
            pl.BlockSpec((NC, R, D), lambda i: (0, i, 0)),
            pl.BlockSpec((R, 1), lambda i: (i, 0)),
            pl.BlockSpec((D, D), lambda i: (0, 0)),
            pl.BlockSpec((D, D), lambda i: (0, 0)),
        ],
        out_specs=pl.BlockSpec((R, D), lambda i: (i, 0)),
        out_shape=jax.ShapeDtypeStruct((N, D), jnp.float32),
    )(feat, nsum, recip, ws_t, wn_t)


def kernel(feat, edge_index, W_self, W_neigh):
    src = edge_index[0]
    dst = edge_index[1]
    pad = EP - E
    ppos = jnp.arange(pad, dtype=jnp.int32)
    srcf = jnp.concatenate([src, ppos % N])
    dstf = jnp.concatenate([dst, DUMMY + ppos % (NPAD - N)])
    zrows = jnp.zeros((ZROWS, D), jnp.float32)
    nsum, degflat = _sc_segment_sums(feat, srcf, dstf, zrows)
    recip = _tc_deg_recip(degflat.reshape(NW, NDEG // D, D))
    recip_col = recip.reshape(NDEG)[:N][:, None]
    return _tc_combine(feat, nsum, recip_col, W_self.T, W_neigh.T)

# --- scband reference (transcript-rebuilt; emitter-appended) ---
"""Pipeline reference for scband-graph-sage-38543036514868 (READ-ONLY COPY).

The authoritative reference and input builder live on the scoring server;
editing this copy changes nothing except your own understanding.
"""

import jax, jax.numpy as jnp
import numpy as np

N = 10000
E = 320000
D_IN = 128
D_OUT = 128

def setup_inputs(seed: int = 0) -> dict:
    key = jax.random.key(seed)
    k1, k2, k3, k4 = jax.random.split(key, 4)
    feat = jax.random.normal(k1, (N, D_IN), dtype=jnp.float32)
    edge_index = jax.random.randint(k2, (2, E), 0, N, dtype=jnp.int32)
    # xavier_uniform with gain for relu, matching nn.init.xavier_uniform_(W, gain)
    gain = float(np.sqrt(2.0))
    bound_self = gain * float(np.sqrt(6.0 / (D_IN + D_OUT)))
    bound_neigh = gain * float(np.sqrt(6.0 / (D_IN + D_OUT)))
    W_self = jax.random.uniform(k3, (D_OUT, D_IN), dtype=jnp.float32, minval=-bound_self, maxval=bound_self)
    W_neigh = jax.random.uniform(k4, (D_OUT, D_IN), dtype=jnp.float32, minval=-bound_neigh, maxval=bound_neigh)
    return {"feat": feat, "edge_index": edge_index, "W_self": W_self, "W_neigh": W_neigh}

def reference(feat, edge_index, W_self, W_neigh):
    # SAGEConv with aggregator_type='mean', bias=False.
    # graph.update_all(copy_src, mean): for each dst node, mean of src features
    src = edge_index[0]
    dst = edge_index[1]
    msgs = jnp.take(feat, src, axis=0)                       # gather: [E, D_in]
    neigh_sum = jax.ops.segment_sum(msgs, dst, num_segments=N)  # scatter-add: [N, D_in]
    deg = jax.ops.segment_sum(jnp.ones((msgs.shape[0],), dtype=feat.dtype), dst, num_segments=N)
    h_neigh = neigh_sum / jnp.maximum(deg, 1.0)[:, None]     # zero-degree nodes get 0, matching DGL mean
    h_neigh = h_neigh @ W_neigh.T                            # fc_neigh (no bias)
    h_self = feat @ W_self.T                                 # fc_self (no bias)
    rst = h_self + h_neigh
    return rst

if __name__ == "__main__":
    import jax
    _d = setup_inputs()
    print(jax.jit(kernel)(*tuple(_d.values())))

</pallas_src>

<mosaic_0001>
#map = affine_map<(d0, d1) -> (0, 0)>
#map1 = affine_map<(d0, d1) -> (0)>
#map2 = affine_map<(d0, d1) -> (0, 0, 0)>
module attributes {stable_mosaic.version = 14 : i64} {
  func.func @k(%arg0: i32, %arg1: i32, %arg2: memref<10000x128xf32, #tpu.memory_space<hbm>>, %arg3: memref<327680xi32, #tpu.memory_space<hbm>>, %arg4: memref<327680xi32, #tpu.memory_space<hbm>>, %arg5: memref<632x128xf32, #tpu.memory_space<hbm>>, %arg6: memref<2x10112x128xf32, #tpu.memory_space<hbm>>, %arg7: memref<327680xf32, #tpu.memory_space<hbm>>, %arg8: memref<10112x128xf32, #tpu.memory_space<vmem_shared>>, %arg9: memref<64xi32, #tpu.memory_space<vmem>>, %arg10: memref<64xi32, #tpu.memory_space<vmem>>, %arg11: memref<64xi32, #tpu.memory_space<vmem>>, %arg12: memref<64xi32, #tpu.memory_space<vmem>>, %arg13: memref<64xi32, #tpu.memory_space<vmem>>, %arg14: memref<64xi32, #tpu.memory_space<vmem>>, %arg15: memref<64xi32, #tpu.memory_space<vmem>>, %arg16: memref<64xi32, #tpu.memory_space<vmem>>, %arg17: memref<64x128xf32, #tpu.memory_space<vmem>>, %arg18: memref<64x128xf32, #tpu.memory_space<vmem>>, %arg19: memref<64x128xf32, #tpu.memory_space<vmem>>, %arg20: memref<64x128xf32, #tpu.memory_space<vmem>>, %arg21: memref<10240xf32, #tpu.memory_space<vmem>>, %arg22: memref<!tpu.dma_semaphore, #tpu.memory_space<semaphore_mem>>, %arg23: memref<!tpu.dma_semaphore, #tpu.memory_space<semaphore_mem>>, %arg24: memref<!tpu.dma_semaphore, #tpu.memory_space<semaphore_mem>>, %arg25: memref<!tpu.dma_semaphore, #tpu.memory_space<semaphore_mem>>, %arg26: memref<!tpu.dma_semaphore, #tpu.memory_space<semaphore_mem>>, %arg27: memref<!tpu.dma_semaphore, #tpu.memory_space<semaphore_mem>>, %arg28: memref<!tpu.dma_semaphore, #tpu.memory_space<semaphore_mem>>, %arg29: memref<!tpu.dma_semaphore, #tpu.memory_space<semaphore_mem>>, %arg30: memref<!tpu.dma_semaphore, #tpu.memory_space<semaphore_mem>>, %arg31: memref<!tpu.dma_semaphore, #tpu.memory_space<semaphore_mem>>, %arg32: memref<!tpu.dma_semaphore, #tpu.memory_space<semaphore_mem>>, %arg33: memref<!tpu.dma_semaphore, #tpu.memory_space<semaphore_mem>>) attributes {dimension_semantics = [#tpu.dimension_semantics<core_parallel>, #tpu.dimension_semantics<subcore_parallel>], iteration_bounds = array<i64: 2, 16>, scalar_prefetch = 0 : i64, scratch_operands = 26 : i64, tpu.core_type = #tpu.core_type<sc_vector_subcore>, window_params = [{transform_indices = #map}, {transform_indices = #map1}, {transform_indices = #map1}, {transform_indices = #map}, {transform_indices = #map2}, {transform_indices = #map1}]} {
    %mul3A = arith.constant 16 : i32
    %mul3A_0 = arith.muli %arg0, %mul3A : i32
    %add3A = arith.addi %mul3A_0, %arg1 : i32
    %mul3A_1 = arith.constant 10240 : i32
    %mul3A_2 = arith.muli %add3A, %mul3A_1 : i32
    %scan3A = arith.constant 0 : i32
    %scan3A_3 = arith.constant 640 : i32
    %scan3A_4 = arith.addi %scan3A, %scan3A_3 : i32
    %scan3A_5 = arith.constant 1 : i32
    scf.for %scan3A_163 = %scan3A to %scan3A_4 step %scan3A_5  : i32 {
      %mul3A_164 = arith.constant 1 : i32
      %mul3A_165 = arith.muli %scan3A_163, %mul3A_164 : i32
      %add3A_166 = arith.constant 0 : i32
      %add3A_167 = arith.addi %add3A_166, %mul3A_165 : i32
      %broadcast_in_dim3A_168 = arith.constant 0.000000e+00 : f32
      %broadcast_in_dim3A_169 = vector.broadcast %broadcast_in_dim3A_168 : f32 to vector<16xf32>
      %mul3A_170 = arith.constant 16 : i32
      %mul3A_171 = arith.muli %add3A_167, %mul3A_170 : i32
      %swap3A = arith.index_cast %mul3A_171 : i32 to index
      %swap3A_172 = tpu.vector_load %arg21[%swap3A] {strides = array<i32>} : memref<10240xf32, #tpu.memory_space<vmem>>, vector<16xf32>,
      tpu.vector_store %arg21[%swap3A], %broadcast_in_dim3A_169 {strides = array<i32>} : memref<10240xf32, #tpu.memory_space<vmem>>, vector<16xf32>,
    }
    %scan3A_6 = arith.constant 640 : i32
    %mul3A_7 = arith.constant 632 : i32
    %mul3A_8 = arith.muli %arg1, %mul3A_7 : i32
    "tpu.region"() ({
      %run_scoped3A = tpu.sem_alloc : memref<!tpu.dma_semaphore, #tpu.memory_space<semaphore_mem>>
      %dma_start3A_163 = arith.constant 0 : i32
      %dma_start3A_164 = tpu.memref_slice %arg8[%mul3A_8, %dma_start3A_163] : memref<10112x128xf32, #tpu.memory_space<vmem_shared>> -> memref<632x128xf32, #tpu.memory_space<vmem_shared>>
      tpu.enqueue_dma source(%arg5 : memref<632x128xf32, #tpu.memory_space<hbm>>) target(%dma_start3A_164 : memref<632x128xf32, #tpu.memory_space<vmem_shared>>) target_semaphore(%run_scoped3A : memref<!tpu.dma_semaphore, #tpu.memory_space<semaphore_mem>>)
      %dma_wait3A_165 = arith.constant 0 : i32
      %dma_wait3A_166 = tpu.memref_slice %arg8[%mul3A_8, %dma_wait3A_165] : memref<10112x128xf32, #tpu.memory_space<vmem_shared>> -> memref<632x128xf32, #tpu.memory_space<vmem_shared>>
      tpu.wait_dma2 semaphore(%run_scoped3A : memref<!tpu.dma_semaphore, #tpu.memory_space<semaphore_mem>>) src(%arg5 : memref<632x128xf32, #tpu.memory_space<hbm>>) dst(%dma_wait3A_166 : memref<632x128xf32, #tpu.memory_space<vmem_shared>>)
      tpu.yield
    }) : () -> ()
    %barrier3A = arith.constant 0 : index
    tpu.barrier barrier_id(%barrier3A)
    %broadcast_in_dim3A = arith.constant 1.000000e+00 : f32
    %broadcast_in_dim3A_9 = vector.broadcast %broadcast_in_dim3A : f32 to vector<16xf32>
    %add3A_10 = arith.constant 0 : i32
    %add3A_11 = arith.addi %mul3A_2, %add3A_10 : i32
    %dma_start3A = tpu.memref_slice %arg3[%add3A_11] : memref<327680xi32, #tpu.memory_space<hbm>> -> memref<64xi32, #tpu.memory_space<hbm>>
    %dma_start3A_12 = tpu.memref_slice %arg3[%add3A_11] : memref<327680xi32, #tpu.memory_space<hbm>> -> memref<64xi32, #tpu.memory_space<hbm>>
    tpu.enqueue_dma source(%dma_start3A_12 : memref<64xi32, #tpu.memory_space<hbm>>) target(%arg9 : memref<64xi32, #tpu.memory_space<vmem>>) target_semaphore(%arg30 : memref<!tpu.dma_semaphore, #tpu.memory_space<semaphore_mem>>)
    %add3A_13 = arith.constant 0 : i32
    %add3A_14 = arith.addi %mul3A_2, %add3A_13 : i32
    %dma_start3A_15 = tpu.memref_slice %arg4[%add3A_14] : memref<327680xi32, #tpu.memory_space<hbm>> -> memref<64xi32, #tpu.memory_space<hbm>>
    %dma_start3A_16 = tpu.memref_slice %arg4[%add3A_14] : memref<327680xi32, #tpu.memory_space<hbm>> -> memref<64xi32, #tpu.memory_space<hbm>>
    tpu.enqueue_dma source(%dma_start3A_16 : memref<64xi32, #tpu.memory_space<hbm>>) target(%arg13 : memref<64xi32, #tpu.memory_space<vmem>>) target_semaphore(%arg30 : memref<!tpu.dma_semaphore, #tpu.memory_space<semaphore_mem>>)
    %add3A_17 = arith.constant 64 : i32
    %add3A_18 = arith.addi %mul3A_2, %add3A_17 : i32
    %dma_start3A_19 = tpu.memref_slice %arg3[%add3A_18] : memref<327680xi32, #tpu.memory_space<hbm>> -> memref<64xi32, #tpu.memory_space<hbm>>
    %dma_start3A_20 = tpu.memref_slice %arg3[%add3A_18] : memref<327680xi32, #tpu.memory_space<hbm>> -> memref<64xi32, #tpu.memory_space<hbm>>
    tpu.enqueue_dma source(%dma_start3A_20 : memref<64xi32, #tpu.memory_space<hbm>>) target(%arg10 : memref<64xi32, #tpu.memory_space<vmem>>) target_semaphore(%arg31 : memref<!tpu.dma_semaphore, #tpu.memory_space<semaphore_mem>>)
    %add3A_21 = arith.constant 64 : i32
    %add3A_22 = arith.addi %mul3A_2, %add3A_21 : i32
    %dma_start3A_23 = tpu.memref_slice %arg4[%add3A_22] : memref<327680xi32, #tpu.memory_space<hbm>> -> memref<64xi32, #tpu.memory_space<hbm>>
    %dma_start3A_24 = tpu.memref_slice %arg4[%add3A_22] : memref<327680xi32, #tpu.memory_space<hbm>> -> memref<64xi32, #tpu.memory_space<hbm>>
    tpu.enqueue_dma source(%dma_start3A_24 : memref<64xi32, #tpu.memory_space<hbm>>) target(%arg14 : memref<64xi32, #tpu.memory_space<vmem>>) target_semaphore(%arg31 : memref<!tpu.dma_semaphore, #tpu.memory_space<semaphore_mem>>)
    %dma_wait3A = arith.constant 0 : i32
    %dma_wait3A_25 = tpu.memref_slice %arg3[%dma_wait3A] : memref<327680xi32, #tpu.memory_space<hbm>> -> memref<64xi32, #tpu.memory_space<hbm>>
    %dma_wait3A_26 = arith.constant 0 : i32
    %dma_wait3A_27 = tpu.memref_slice %arg3[%dma_wait3A_26] : memref<327680xi32, #tpu.memory_space<hbm>> -> memref<64xi32, #tpu.memory_space<hbm>>
    tpu.wait_dma2 semaphore(%arg30 : memref<!tpu.dma_semaphore, #tpu.memory_space<semaphore_mem>>) src(%dma_wait3A_27 : memref<64xi32, #tpu.memory_space<hbm>>) dst(%arg9 : memref<64xi32, #tpu.memory_space<vmem>>)
    %dma_wait3A_28 = arith.constant 0 : i32
    %dma_wait3A_29 = tpu.memref_slice %arg4[%dma_wait3A_28] : memref<327680xi32, #tpu.memory_space<hbm>> -> memref<64xi32, #tpu.memory_space<hbm>>
    %dma_wait3A_30 = arith.constant 0 : i32
    %dma_wait3A_31 = tpu.memref_slice %arg4[%dma_wait3A_30] : memref<327680xi32, #tpu.memory_space<hbm>> -> memref<64xi32, #tpu.memory_space<hbm>>
    tpu.wait_dma2 semaphore(%arg30 : memref<!tpu.dma_semaphore, #tpu.memory_space<semaphore_mem>>) src(%dma_wait3A_31 : memref<64xi32, #tpu.memory_space<hbm>>) dst(%arg13 : memref<64xi32, #tpu.memory_space<vmem>>)
    %dma_start3A_32 = arith.constant 0 : i32
    %dma_start3A_33 = arith.constant 0 : i32
    %dma_start3A_34 = tpu.memref_slice %arg2[%dma_start3A_32, %dma_start3A_33] : memref<10000x128xf32, #tpu.memory_space<hbm>> -> memref<10000x128xf32, #tpu.memory_space<hbm>>
    tpu.enqueue_indirect_dma source(%dma_start3A_34 : memref<10000x128xf32, #tpu.memory_space<hbm>>) target(%arg17 : memref<64x128xf32, #tpu.memory_space<vmem>>) offsets(%arg9 : memref<64xi32, #tpu.memory_space<vmem>>) semaphore(%arg22 : memref<!tpu.dma_semaphore, #tpu.memory_space<semaphore_mem>>)
    %add3A_35 = arith.constant 128 : i32
    %add3A_36 = arith.addi %mul3A_2, %add3A_35 : i32
    %dma_start3A_37 = tpu.memref_slice %arg3[%add3A_36] : memref<327680xi32, #tpu.memory_space<hbm>> -> memref<64xi32, #tpu.memory_space<hbm>>
    %dma_start3A_38 = tpu.memref_slice %arg3[%add3A_36] : memref<327680xi32, #tpu.memory_space<hbm>> -> memref<64xi32, #tpu.memory_space<hbm>>
    tpu.enqueue_dma source(%dma_start3A_38 : memref<64xi32, #tpu.memory_space<hbm>>) target(%arg11 : memref<64xi32, #tpu.memory_space<vmem>>) target_semaphore(%arg32 : memref<!tpu.dma_semaphore, #tpu.memory_space<semaphore_mem>>)
    %add3A_39 = arith.constant 128 : i32
    %add3A_40 = arith.addi %mul3A_2, %add3A_39 : i32
    %dma_start3A_41 = tpu.memref_slice %arg4[%add3A_40] : memref<327680xi32, #tpu.memory_space<hbm>> -> memref<64xi32, #tpu.memory_space<hbm>>
    %dma_start3A_42 = tpu.memref_slice %arg4[%add3A_40] : memref<327680xi32, #tpu.memory_space<hbm>> -> memref<64xi32, #tpu.memory_space<hbm>>
    tpu.enqueue_dma source(%dma_start3A_42 : memref<64xi32, #tpu.memory_space<hbm>>) target(%arg15 : memref<64xi32, #tpu.memory_space<vmem>>) target_semaphore(%arg32 : memref<!tpu.dma_semaphore, #tpu.memory_space<semaphore_mem>>)
    %dma_wait3A_43 = arith.constant 0 : i32
    %dma_wait3A_44 = tpu.memref_slice %arg3[%dma_wait3A_43] : memref<327680xi32, #tpu.memory_space<hbm>> -> memref<64xi32, #tpu.memory_space<hbm>>
    %dma_wait3A_45 = arith.constant 0 : i32
    %dma_wait3A_46 = tpu.memref_slice %arg3[%dma_wait3A_45] : memref<327680xi32, #tpu.memory_space<hbm>> -> memref<64xi32, #tpu.memory_space<hbm>>
    tpu.wait_dma2 semaphore(%arg31 : memref<!tpu.dma_semaphore, #tpu.memory_space<semaphore_mem>>) src(%dma_wait3A_46 : memref<64xi32, #tpu.memory_space<hbm>>) dst(%arg10 : memref<64xi32, #tpu.memory_space<vmem>>)
    %dma_wait3A_47 = arith.constant 0 : i32
    %dma_wait3A_48 = tpu.memref_slice %arg4[%dma_wait3A_47] : memref<327680xi32, #tpu.memory_space<hbm>> -> memref<64xi32, #tpu.memory_space<hbm>>
    %dma_wait3A_49 = arith.constant 0 : i32
    %dma_wait3A_50 = tpu.memref_slice %arg4[%dma_wait3A_49] : memref<327680xi32, #tpu.memory_space<hbm>> -> memref<64xi32, #tpu.memory_space<hbm>>
    tpu.wait_dma2 semaphore(%arg31 : memref<!tpu.dma_semaphore, #tpu.memory_space<semaphore_mem>>) src(%dma_wait3A_50 : memref<64xi32, #tpu.memory_space<hbm>>) dst(%arg14 : memref<64xi32, #tpu.memory_space<vmem>>)
    %dma_start3A_51 = arith.constant 0 : i32
    %dma_start3A_52 = arith.constant 0 : i32
    %dma_start3A_53 = tpu.memref_slice %arg2[%dma_start3A_51, %dma_start3A_52] : memref<10000x128xf32, #tpu.memory_space<hbm>> -> memref<10000x128xf32, #tpu.memory_space<hbm>>
    tpu.enqueue_indirect_dma source(%dma_start3A_53 : memref<10000x128xf32, #tpu.memory_space<hbm>>) target(%arg18 : memref<64x128xf32, #tpu.memory_space<vmem>>) offsets(%arg10 : memref<64xi32, #tpu.memory_space<vmem>>) semaphore(%arg23 : memref<!tpu.dma_semaphore, #tpu.memory_space<semaphore_mem>>)
    %dma_wait3A_54 = arith.constant 0 : i32
    %dma_wait3A_55 = arith.constant 0 : i32
    %dma_wait3A_56 = tpu.memref_slice %arg2[%dma_wait3A_54, %dma_wait3A_55] : memref<10000x128xf32, #tpu.memory_space<hbm>> -> memref<10000x128xf32, #tpu.memory_space<hbm>>
    tpu.wait_indirect_dma semaphore(%arg22 : memref<!tpu.dma_semaphore, #tpu.memory_space<semaphore_mem>>) src(%dma_wait3A_56 : memref<10000x128xf32, #tpu.memory_space<hbm>>) dst(%arg17 : memref<64x128xf32, #tpu.memory_space<vmem>>)
    %dma_start3A_57 = arith.constant 0 : i32
    %dma_start3A_58 = arith.constant 0 : i32
    %dma_start3A_59 = tpu.memref_slice %arg8[%dma_start3A_57, %dma_start3A_58] : memref<10112x128xf32, #tpu.memory_space<vmem_shared>> -> memref<10112x128xf32, #tpu.memory_space<vmem_shared>>
    tpu.enqueue_indirect_dma source(%arg17 : memref<64x128xf32, #tpu.memory_space<vmem>>) target(%dma_start3A_59 : memref<10112x128xf32, #tpu.memory_space<vmem_shared>>) offsets(%arg13 : memref<64xi32, #tpu.memory_space<vmem>>) semaphore(%arg26 : memref<!tpu.dma_semaphore, #tpu.memory_space<semaphore_mem>>) {add = true}
    %get3A = arith.constant 0 : index
    %get3A_60 = tpu.vector_load %arg13[%get3A] {strides = array<i32>} : memref<64xi32, #tpu.memory_space<vmem>>, vector<16xi32>,
    tpu.vector_store_idx %arg21[%get3A_60], %broadcast_in_dim3A_9 {add = true} : memref<10240xf32, #tpu.memory_space<vmem>>[vector<16xi32>], vector<16xf32>,
    %get3A_61 = arith.constant 16 : index
    %get3A_62 = tpu.vector_load %arg13[%get3A_61] {strides = array<i32>} : memref<64xi32, #tpu.memory_space<vmem>>, vector<16xi32>,
    tpu.vector_store_idx %arg21[%get3A_62], %broadcast_in_dim3A_9 {add = true} : memref<10240xf32, #tpu.memory_space<vmem>>[vector<16xi32>], vector<16xf32>,
    %get3A_63 = arith.constant 32 : index
    %get3A_64 = tpu.vector_load %arg13[%get3A_63] {strides = array<i32>} : memref<64xi32, #tpu.memory_space<vmem>>, vector<16xi32>,
    tpu.vector_store_idx %arg21[%get3A_64], %broadcast_in_dim3A_9 {add = true} : memref<10240xf32, #tpu.memory_space<vmem>>[vector<16xi32>], vector<16xf32>,
    %get3A_65 = arith.constant 48 : index
    %get3A_66 = tpu.vector_load %arg13[%get3A_65] {strides = array<i32>} : memref<64xi32, #tpu.memory_space<vmem>>, vector<16xi32>,
    tpu.vector_store_idx %arg21[%get3A_66], %broadcast_in_dim3A_9 {add = true} : memref<10240xf32, #tpu.memory_space<vmem>>[vector<16xi32>], vector<16xf32>,
    %add3A_67 = arith.constant 192 : i32
    %add3A_68 = arith.addi %mul3A_2, %add3A_67 : i32
    %dma_start3A_69 = tpu.memref_slice %arg3[%add3A_68] : memref<327680xi32, #tpu.memory_space<hbm>> -> memref<64xi32, #tpu.memory_space<hbm>>
    %dma_start3A_70 = tpu.memref_slice %arg3[%add3A_68] : memref<327680xi32, #tpu.memory_space<hbm>> -> memref<64xi32, #tpu.memory_space<hbm>>
    tpu.enqueue_dma source(%dma_start3A_70 : memref<64xi32, #tpu.memory_space<hbm>>) target(%arg12 : memref<64xi32, #tpu.memory_space<vmem>>) target_semaphore(%arg33 : memref<!tpu.dma_semaphore, #tpu.memory_space<semaphore_mem>>)
    %add3A_71 = arith.constant 192 : i32
    %add3A_72 = arith.addi %mul3A_2, %add3A_71 : i32
    %dma_start3A_73 = tpu.memref_slice %arg4[%add3A_72] : memref<327680xi32, #tpu.memory_space<hbm>> -> memref<64xi32, #tpu.memory_space<hbm>>
    %dma_start3A_74 = tpu.memref_slice %arg4[%add3A_72] : memref<327680xi32, #tpu.memory_space<hbm>> -> memref<64xi32, #tpu.memory_space<hbm>>
    tpu.enqueue_dma source(%dma_start3A_74 : memref<64xi32, #tpu.memory_space<hbm>>) target(%arg16 : memref<64xi32, #tpu.memory_space<vmem>>) target_semaphore(%arg33 : memref<!tpu.dma_semaphore, #tpu.memory_space<semaphore_mem>>)
    %dma_wait3A_75 = arith.constant 0 : i32
    %dma_wait3A_76 = tpu.memref_slice %arg3[%dma_wait3A_75] : memref<327680xi32, #tpu.memory_space<hbm>> -> memref<64xi32, #tpu.memory_space<hbm>>
    %dma_wait3A_77 = arith.constant 0 : i32
    %dma_wait3A_78 = tpu.memref_slice %arg3[%dma_wait3A_77] : memref<327680xi32, #tpu.memory_space<hbm>> -> memref<64xi32, #tpu.memory_space<hbm>>
    tpu.wait_dma2 semaphore(%arg32 : memref<!tpu.dma_semaphore, #tpu.memory_space<semaphore_mem>>) src(%dma_wait3A_78 : memref<64xi32, #tpu.memory_space<hbm>>) dst(%arg11 : memref<64xi32, #tpu.memory_space<vmem>>)
    %dma_wait3A_79 = arith.constant 0 : i32
    %dma_wait3A_80 = tpu.memref_slice %arg4[%dma_wait3A_79] : memref<327680xi32, #tpu.memory_space<hbm>> -> memref<64xi32, #tpu.memory_space<hbm>>
    %dma_wait3A_81 = arith.constant 0 : i32
    %dma_wait3A_82 = tpu.memref_slice %arg4[%dma_wait3A_81] : memref<327680xi32, #tpu.memory_space<hbm>> -> memref<64xi32, #tpu.memory_space<hbm>>
    tpu.wait_dma2 semaphore(%arg32 : memref<!tpu.dma_semaphore, #tpu.memory_space<semaphore_mem>>) src(%dma_wait3A_82 : memref<64xi32, #tpu.memory_space<hbm>>) dst(%arg15 : memref<64xi32, #tpu.memory_space<vmem>>)
    %dma_start3A_83 = arith.constant 0 : i32
    %dma_start3A_84 = arith.constant 0 : i32
    %dma_start3A_85 = tpu.memref_slice %arg2[%dma_start3A_83, %dma_start3A_84] : memref<10000x128xf32, #tpu.memory_space<hbm>> -> memref<10000x128xf32, #tpu.memory_space<hbm>>
    tpu.enqueue_indirect_dma source(%dma_start3A_85 : memref<10000x128xf32, #tpu.memory_space<hbm>>) target(%arg19 : memref<64x128xf32, #tpu.memory_space<vmem>>) offsets(%arg11 : memref<64xi32, #tpu.memory_space<vmem>>) semaphore(%arg24 : memref<!tpu.dma_semaphore, #tpu.memory_space<semaphore_mem>>)
    %dma_wait3A_86 = arith.constant 0 : i32
    %dma_wait3A_87 = arith.constant 0 : i32
    %dma_wait3A_88 = tpu.memref_slice %arg2[%dma_wait3A_86, %dma_wait3A_87] : memref<10000x128xf32, #tpu.memory_space<hbm>> -> memref<10000x128xf32, #tpu.memory_space<hbm>>
    tpu.wait_indirect_dma semaphore(%arg23 : memref<!tpu.dma_semaphore, #tpu.memory_space<semaphore_mem>>) src(%dma_wait3A_88 : memref<10000x128xf32, #tpu.memory_space<hbm>>) dst(%arg18 : memref<64x128xf32, #tpu.memory_space<vmem>>)
    %dma_start3A_89 = arith.constant 0 : i32
    %dma_start3A_90 = arith.constant 0 : i32
    %dma_start3A_91 = tpu.memref_slice %arg8[%dma_start3A_89, %dma_start3A_90] : memref<10112x128xf32, #tpu.memory_space<vmem_shared>> -> memref<10112x128xf32, #tpu.memory_space<vmem_shared>>
    tpu.enqueue_indirect_dma source(%arg18 : memref<64x128xf32, #tpu.memory_space<vmem>>) target(%dma_start3A_91 : memref<10112x128xf32, #tpu.memory_space<vmem_shared>>) offsets(%arg14 : memref<64xi32, #tpu.memory_space<vmem>>) semaphore(%arg27 : memref<!tpu.dma_semaphore, #tpu.memory_space<semaphore_mem>>) {add = true}
    %get3A_92 = arith.constant 0 : index
    %get3A_93 = tpu.vector_load %arg14[%get3A_92] {strides = array<i32>} : memref<64xi32, #tpu.memory_space<vmem>>, vector<16xi32>,
    tpu.vector_store_idx %arg21[%get3A_93], %broadcast_in_dim3A_9 {add = true} : memref<10240xf32, #tpu.memory_space<vmem>>[vector<16xi32>], vector<16xf32>,
    %get3A_94 = arith.constant 16 : index
    %get3A_95 = tpu.vector_load %arg14[%get3A_94] {strides = array<i32>} : memref<64xi32, #tpu.memory_space<vmem>>, vector<16xi32>,
    tpu.vector_store_idx %arg21[%get3A_95], %broadcast_in_dim3A_9 {add = true} : memref<10240xf32, #tpu.memory_space<vmem>>[vector<16xi32>], vector<16xf32>,
    %get3A_96 = arith.constant 32 : index
    %get3A_97 = tpu.vector_load %arg14[%get3A_96] {strides = array<i32>} : memref<64xi32, #tpu.memory_space<vmem>>, vector<16xi32>,
    tpu.vector_store_idx %arg21[%get3A_97], %broadcast_in_dim3A_9 {add = true} : memref<10240xf32, #tpu.memory_space<vmem>>[vector<16xi32>], vector<16xf32>,
    %get3A_98 = arith.constant 48 : index
    %get3A_99 = tpu.vector_load %arg14[%get3A_98] {strides = array<i32>} : memref<64xi32, #tpu.memory_space<vmem>>, vector<16xi32>,
    tpu.vector_store_idx %arg21[%get3A_99], %broadcast_in_dim3A_9 {add = true} : memref<10240xf32, #tpu.memory_space<vmem>>[vector<16xi32>], vector<16xf32>,
    %scan3A_100 = arith.constant 0 : i32
    %scan3A_101 = arith.constant 39 : i32
    %scan3A_102 = arith.addi %scan3A_100, %scan3A_101 : i32
    %scan3A_103 = arith.constant 1 : i32
    scf.for %scan3A_163 = %scan3A_100 to %scan3A_102 step %scan3A_103  : i32 {
      %mul3A_164 = arith.constant 4 : i32
      %mul3A_165 = arith.muli %scan3A_163, %mul3A_164 : i32
      %add3A_166 = arith.constant 2 : i32
      %add3A_167 = arith.addi %add3A_166, %mul3A_165 : i32
      %dma_wait3A_168 = arith.constant 0 : i32
      %dma_wait3A_169 = arith.constant 0 : i32
      %dma_wait3A_170 = tpu.memref_slice %arg8[%dma_wait3A_168, %dma_wait3A_169] : memref<10112x128xf32, #tpu.memory_space<vmem_shared>> -> memref<10112x128xf32, #tpu.memory_space<vmem_shared>>
      tpu.wait_indirect_dma semaphore(%arg26 : memref<!tpu.dma_semaphore, #tpu.memory_space<semaphore_mem>>) src(%arg17 : memref<64x128xf32, #tpu.memory_space<vmem>>) dst(%dma_wait3A_170 : memref<10112x128xf32, #tpu.memory_space<vmem_shared>>)
      %add3A_171 = arith.constant 0 : i32
      %add3A_172 = arith.addi %add3A_167, %add3A_171 : i32
      %add3A_173 = arith.constant 2 : i32
      %add3A_174 = arith.addi %add3A_172, %add3A_173 : i32
      %mul3A_175 = arith.constant 64 : i32
      %mul3A_176 = arith.muli %add3A_174, %mul3A_175 : i32
      %add3A_177 = arith.addi %mul3A_2, %mul3A_176 : i32
      %dma_start3A_178 = tpu.memref_slice %arg3[%add3A_177] : memref<327680xi32, #tpu.memory_space<hbm>> -> memref<64xi32, #tpu.memory_space<hbm>>
      %dma_start3A_179 = tpu.memref_slice %arg3[%add3A_177] : memref<327680xi32, #tpu.memory_space<hbm>> -> memref<64xi32, #tpu.memory_space<hbm>>
      tpu.enqueue_dma source(%dma_start3A_179 : memref<64xi32, #tpu.memory_space<hbm>>) target(%arg9 : memref<64xi32, #tpu.memory_space<vmem>>) target_semaphore(%arg30 : memref<!tpu.dma_semaphore, #tpu.memory_space<semaphore_mem>>)
      %mul3A_180 = arith.constant 64 : i32
      %mul3A_181 = arith.muli %add3A_174, %mul3A_180 : i32
      %add3A_182 = arith.addi %mul3A_2, %mul3A_181 : i32
      %dma_start3A_183 = tpu.memref_slice %arg4[%add3A_182] : memref<327680xi32, #tpu.memory_space<hbm>> -> memref<64xi32, #tpu.memory_space<hbm>>
      %dma_start3A_184 = tpu.memref_slice %arg4[%add3A_182] : memref<327680xi32, #tpu.memory_space<hbm>> -> memref<64xi32, #tpu.memory_space<hbm>>
      tpu.enqueue_dma source(%dma_start3A_184 : memref<64xi32, #tpu.memory_space<hbm>>) target(%arg13 : memref<64xi32, #tpu.memory_space<vmem>>) target_semaphore(%arg30 : memref<!tpu.dma_semaphore, #tpu.memory_space<semaphore_mem>>)
      %dma_wait3A_185 = arith.constant 0 : i32
      %dma_wait3A_186 = tpu.memref_slice %arg3[%dma_wait3A_185] : memref<327680xi32, #tpu.memory_space<hbm>> -> memref<64xi32, #tpu.memory_space<hbm>>
      %dma_wait3A_187 = arith.constant 0 : i32
      %dma_wait3A_188 = tpu.memref_slice %arg3[%dma_wait3A_187] : memref<327680xi32, #tpu.memory_space<hbm>> -> memref<64xi32, #tpu.memory_space<hbm>>
      tpu.wait_dma2 semaphore(%arg33 : memref<!tpu.dma_semaphore, #tpu.memory_space<semaphore_mem>>) src(%dma_wait3A_188 : memref<64xi32, #tpu.memory_space<hbm>>) dst(%arg12 : memref<64xi32, #tpu.memory_space<vmem>>)
      %dma_wait3A_189 = arith.constant 0 : i32
      %dma_wait3A_190 = tpu.memref_slice %arg4[%dma_wait3A_189] : memref<327680xi32, #tpu.memory_space<hbm>> -> memref<64xi32, #tpu.memory_space<hbm>>
      %dma_wait3A_191 = arith.constant 0 : i32
      %dma_wait3A_192 = tpu.memref_slice %arg4[%dma_wait3A_191] : memref<327680xi32, #tpu.memory_space<hbm>> -> memref<64xi32, #tpu.memory_space<hbm>>
      tpu.wait_dma2 semaphore(%arg33 : memref<!tpu.dma_semaphore, #tpu.memory_space<semaphore_mem>>) src(%dma_wait3A_192 : memref<64xi32, #tpu.memory_space<hbm>>) dst(%arg16 : memref<64xi32, #tpu.memory_space<vmem>>)
      %dma_start3A_193 = arith.constant 0 : i32
      %dma_start3A_194 = arith.constant 0 : i32
      %dma_start3A_195 = tpu.memref_slice %arg2[%dma_start3A_193, %dma_start3A_194] : memref<10000x128xf32, #tpu.memory_space<hbm>> -> memref<10000x128xf32, #tpu.memory_space<hbm>>
      tpu.enqueue_indirect_dma source(%dma_start3A_195 : memref<10000x128xf32, #tpu.memory_space<hbm>>) target(%arg20 : memref<64x128xf32, #tpu.memory_space<vmem>>) offsets(%arg12 : memref<64xi32, #tpu.memory_space<vmem>>) semaphore(%arg25 : memref<!tpu.dma_semaphore, #tpu.memory_space<semaphore_mem>>)
      %dma_wait3A_196 = arith.constant 0 : i32
      %dma_wait3A_197 = arith.constant 0 : i32
      %dma_wait3A_198 = tpu.memref_slice %arg2[%dma_wait3A_196, %dma_wait3A_197] : memref<10000x128xf32, #tpu.memory_space<hbm>> -> memref<10000x128xf32, #tpu.memory_space<hbm>>
      tpu.wait_indirect_dma semaphore(%arg24 : memref<!tpu.dma_semaphore, #tpu.memory_space<semaphore_mem>>) src(%dma_wait3A_198 : memref<10000x128xf32, #tpu.memory_space<hbm>>) dst(%arg19 : memref<64x128xf32, #tpu.memory_space<vmem>>)
      %dma_start3A_199 = arith.constant 0 : i32
      %dma_start3A_200 = arith.constant 0 : i32
      %dma_start3A_201 = tpu.memref_slice %arg8[%dma_start3A_199, %dma_start3A_200] : memref<10112x128xf32, #tpu.memory_space<vmem_shared>> -> memref<10112x128xf32, #tpu.memory_space<vmem_shared>>
      tpu.enqueue_indirect_dma source(%arg19 : memref<64x128xf32, #tpu.memory_space<vmem>>) target(%dma_start3A_201 : memref<10112x128xf32, #tpu.memory_space<vmem_shared>>) offsets(%arg15 : memref<64xi32, #tpu.memory_space<vmem>>) semaphore(%arg28 : memref<!tpu.dma_semaphore, #tpu.memory_space<semaphore_mem>>) {add = true}
      %get3A_202 = arith.constant 0 : index
      %get3A_203 = tpu.vector_load %arg15[%get3A_202] {strides = array<i32>} : memref<64xi32, #tpu.memory_space<vmem>>, vector<16xi32>,
      tpu.vector_store_idx %arg21[%get3A_203], %broadcast_in_dim3A_9 {add = true} : memref<10240xf32, #tpu.memory_space<vmem>>[vector<16xi32>], vector<16xf32>,
      %get3A_204 = arith.constant 16 : index
      %get3A_205 = tpu.vector_load %arg15[%get3A_204] {strides = array<i32>} : memref<64xi32, #tpu.memory_space<vmem>>, vector<16xi32>,
      tpu.vector_store_idx %arg21[%get3A_205], %broadcast_in_dim3A_9 {add = true} : memref<10240xf32, #tpu.memory_space<vmem>>[vector<16xi32>], vector<16xf32>,
      %get3A_206 = arith.constant 32 : index
      %get3A_207 = tpu.vector_load %arg15[%get3A_206] {strides = array<i32>} : memref<64xi32, #tpu.memory_space<vmem>>, vector<16xi32>,
      tpu.vector_store_idx %arg21[%get3A_207], %broadcast_in_dim3A_9 {add = true} : memref<10240xf32, #tpu.memory_space<vmem>>[vector<16xi32>], vector<16xf32>,
      %get3A_208 = arith.constant 48 : index
      %get3A_209 = tpu.vector_load %arg15[%get3A_208] {strides = array<i32>} : memref<64xi32, #tpu.memory_space<vmem>>, vector<16xi32>,
      tpu.vector_store_idx %arg21[%get3A_209], %broadcast_in_dim3A_9 {add = true} : memref<10240xf32, #tpu.memory_space<vmem>>[vector<16xi32>], vector<16xf32>,
      %dma_wait3A_210 = arith.constant 0 : i32
      %dma_wait3A_211 = arith.constant 0 : i32
      %dma_wait3A_212 = tpu.memref_slice %arg8[%dma_wait3A_210, %dma_wait3A_211] : memref<10112x128xf32, #tpu.memory_space<vmem_shared>> -> memref<10112x128xf32, #tpu.memory_space<vmem_shared>>
      tpu.wait_indirect_dma semaphore(%arg27 : memref<!tpu.dma_semaphore, #tpu.memory_space<semaphore_mem>>) src(%arg18 : memref<64x128xf32, #tpu.memory_space<vmem>>) dst(%dma_wait3A_212 : memref<10112x128xf32, #tpu.memory_space<vmem_shared>>)
      %add3A_213 = arith.constant 1 : i32
      %add3A_214 = arith.addi %add3A_167, %add3A_213 : i32
      %add3A_215 = arith.constant 2 : i32
      %add3A_216 = arith.addi %add3A_214, %add3A_215 : i32
      %mul3A_217 = arith.constant 64 : i32
      %mul3A_218 = arith.muli %add3A_216, %mul3A_217 : i32
      %add3A_219 = arith.addi %mul3A_2, %mul3A_218 : i32
      %dma_start3A_220 = tpu.memref_slice %arg3[%add3A_219] : memref<327680xi32, #tpu.memory_space<hbm>> -> memref<64xi32, #tpu.memory_space<hbm>>
      %dma_start3A_221 = tpu.memref_slice %arg3[%add3A_219] : memref<327680xi32, #tpu.memory_space<hbm>> -> memref<64xi32, #tpu.memory_space<hbm>>
      tpu.enqueue_dma source(%dma_start3A_221 : memref<64xi32, #tpu.memory_space<hbm>>) target(%arg10 : memref<64xi32, #tpu.memory_space<vmem>>) target_semaphore(%arg31 : memref<!tpu.dma_semaphore, #tpu.memory_space<semaphore_mem>>)
      %mul3A_222 = arith.constant 64 : i32
      %mul3A_223 = arith.muli %add3A_216, %mul3A_222 : i32
      %add3A_224 = arith.addi %mul3A_2, %mul3A_223 : i32
      %dma_start3A_225 = tpu.memref_slice %arg4[%add3A_224] : memref<327680xi32, #tpu.memory_space<hbm>> -> memref<64xi32, #tpu.memory_space<hbm>>
      %dma_start3A_226 = tpu.memref_slice %arg4[%add3A_224] : memref<327680xi32, #tpu.memory_space<hbm>> -> memref<64xi32, #tpu.memory_space<hbm>>
      tpu.enqueue_dma source(%dma_start3A_226 : memref<64xi32, #tpu.memory_space<hbm>>) target(%arg14 : memref<64xi32, #tpu.memory_space<vmem>>) target_semaphore(%arg31 : memref<!tpu.dma_semaphore, #tpu.memory_space<semaphore_mem>>)
      %dma_wait3A_227 = arith.constant 0 : i32
      %dma_wait3A_228 = tpu.memref_slice %arg3[%dma_wait3A_227] : memref<327680xi32, #tpu.memory_space<hbm>> -> memref<64xi32, #tpu.memory_space<hbm>>
      %dma_wait3A_229 = arith.constant 0 : i32
      %dma_wait3A_230 = tpu.memref_slice %arg3[%dma_wait3A_229] : memref<327680xi32, #tpu.memory_space<hbm>> -> memref<64xi32, #tpu.memory_space<hbm>>
      tpu.wait_dma2 semaphore(%arg30 : memref<!tpu.dma_semaphore, #tpu.memory_space<semaphore_mem>>) src(%dma_wait3A_230 : memref<64xi32, #tpu.memory_space<hbm>>) dst(%arg9 : memref<64xi32, #tpu.memory_space<vmem>>)
      %dma_wait3A_231 = arith.constant 0 : i32
      %dma_wait3A_232 = tpu.memref_slice %arg4[%dma_wait3A_231] : memref<327680xi32, #tpu.memory_space<hbm>> -> memref<64xi32, #tpu.memory_space<hbm>>
      %dma_wait3A_233 = arith.constant 0 : i32
      %dma_wait3A_234 = tpu.memref_slice %arg4[%dma_wait3A_233] : memref<327680xi32, #tpu.memory_space<hbm>> -> memref<64xi32, #tpu.memory_space<hbm>>
      tpu.wait_dma2 semaphore(%arg30 : memref<!tpu.dma_semaphore, #tpu.memory_space<semaphore_mem>>) src(%dma_wait3A_234 : memref<64xi32, #tpu.memory_space<hbm>>) dst(%arg13 : memref<64xi32, #tpu.memory_space<vmem>>)
      %dma_start3A_235 = arith.constant 0 : i32
      %dma_start3A_236 = arith.constant 0 : i32
      %dma_start3A_237 = tpu.memref_slice %arg2[%dma_start3A_235, %dma_start3A_236] : memref<10000x128xf32, #tpu.memory_space<hbm>> -> memref<10000x128xf32, #tpu.memory_space<hbm>>
      tpu.enqueue_indirect_dma source(%dma_start3A_237 : memref<10000x128xf32, #tpu.memory_space<hbm>>) target(%arg17 : memref<64x128xf32, #tpu.memory_space<vmem>>) offsets(%arg9 : memref<64xi32, #tpu.memory_space<vmem>>) semaphore(%arg22 : memref<!tpu.dma_semaphore, #tpu.memory_space<semaphore_mem>>)
      %dma_wait3A_238 = arith.constant 0 : i32
      %dma_wait3A_239 = arith.constant 0 : i32
      %dma_wait3A_240 = tpu.memref_slice %arg2[%dma_wait3A_238, %dma_wait3A_239] : memref<10000x128xf32, #tpu.memory_space<hbm>> -> memref<10000x128xf32, #tpu.memory_space<hbm>>
      tpu.wait_indirect_dma semaphore(%arg25 : memref<!tpu.dma_semaphore, #tpu.memory_space<semaphore_mem>>) src(%dma_wait3A_240 : memref<10000x128xf32, #tpu.memory_space<hbm>>) dst(%arg20 : memref<64x128xf32, #tpu.memory_space<vmem>>)
      %dma_start3A_241 = arith.constant 0 : i32
      %dma_start3A_242 = arith.constant 0 : i32
      %dma_start3A_243 = tpu.memref_slice %arg8[%dma_start3A_241, %dma_start3A_242] : memref<10112x128xf32, #tpu.memory_space<vmem_shared>> -> memref<10112x128xf32, #tpu.memory_space<vmem_shared>>
      tpu.enqueue_indirect_dma source(%arg20 : memref<64x128xf32, #tpu.memory_space<vmem>>) target(%dma_start3A_243 : memref<10112x128xf32, #tpu.memory_space<vmem_shared>>) offsets(%arg16 : memref<64xi32, #tpu.memory_space<vmem>>) semaphore(%arg29 : memref<!tpu.dma_semaphore, #tpu.memory_space<semaphore_mem>>) {add = true}
      %get3A_244 = arith.constant 0 : index
      %get3A_245 = tpu.vector_load %arg16[%get3A_244] {strides = array<i32>} : memref<64xi32, #tpu.memory_space<vmem>>, vector<16xi32>,
      tpu.vector_store_idx %arg21[%get3A_245], %broadcast_in_dim3A_9 {add = true} : memref<10240xf32, #tpu.memory_space<vmem>>[vector<16xi32>], vector<16xf32>,
      %get3A_246 = arith.constant 16 : index
      %get3A_247 = tpu.vector_load %arg16[%get3A_246] {strides = array<i32>} : memref<64xi32, #tpu.memory_space<vmem>>, vector<16xi32>,
      tpu.vector_store_idx %arg21[%get3A_247], %broadcast_in_dim3A_9 {add = true} : memref<10240xf32, #tpu.memory_space<vmem>>[vector<16xi32>], vector<16xf32>,
      %get3A_248 = arith.constant 32 : index
      %get3A_249 = tpu.vector_load %arg16[%get3A_248] {strides = array<i32>} : memref<64xi32, #tpu.memory_space<vmem>>, vector<16xi32>,
      tpu.vector_store_idx %arg21[%get3A_249], %broadcast_in_dim3A_9 {add = true} : memref<10240xf32, #tpu.memory_space<vmem>>[vector<16xi32>], vector<16xf32>,
      %get3A_250 = arith.constant 48 : index
      %get3A_251 = tpu.vector_load %arg16[%get3A_250] {strides = array<i32>} : memref<64xi32, #tpu.memory_space<vmem>>, vector<16xi32>,
      tpu.vector_store_idx %arg21[%get3A_251], %broadcast_in_dim3A_9 {add = true} : memref<10240xf32, #tpu.memory_space<vmem>>[vector<16xi32>], vector<16xf32>,
      %dma_wait3A_252 = arith.constant 0 : i32
      %dma_wait3A_253 = arith.constant 0 : i32
      %dma_wait3A_254 = tpu.memref_slice %arg8[%dma_wait3A_252, %dma_wait3A_253] : memref<10112x128xf32, #tpu.memory_space<vmem_shared>> -> memref<10112x128xf32, #tpu.memory_space<vmem_shared>>
      tpu.wait_indirect_dma semaphore(%arg28 : memref<!tpu.dma_semaphore, #tpu.memory_space<semaphore_mem>>) src(%arg19 : memref<64x128xf32, #tpu.memory_space<vmem>>) dst(%dma_wait3A_254 : memref<10112x128xf32, #tpu.memory_space<vmem_shared>>)
      %add3A_255 = arith.constant 2 : i32
      %add3A_256 = arith.addi %add3A_167, %add3A_255 : i32
      %add3A_257 = arith.constant 2 : i32
      %add3A_258 = arith.addi %add3A_256, %add3A_257 : i32
      %mul3A_259 = arith.constant 64 : i32
      %mul3A_260 = arith.muli %add3A_258, %mul3A_259 : i32
      %add3A_261 = arith.addi %mul3A_2, %mul3A_260 : i32
      %dma_start3A_262 = tpu.memref_slice %arg3[%add3A_261] : memref<327680xi32, #tpu.memory_space<hbm>> -> memref<64xi32, #tpu.memory_space<hbm>>
      %dma_start3A_263 = tpu.memref_slice %arg3[%add3A_261] : memref<327680xi32, #tpu.memory_space<hbm>> -> memref<64xi32, #tpu.memory_space<hbm>>
      tpu.enqueue_dma source(%dma_start3A_263 : memref<64xi32, #tpu.memory_space<hbm>>) target(%arg11 : memref<64xi32, #tpu.memory_space<vmem>>) target_semaphore(%arg32 : memref<!tpu.dma_semaphore, #tpu.memory_space<semaphore_mem>>)
      %mul3A_264 = arith.constant 64 : i32
      %mul3A_265 = arith.muli %add3A_258, %mul3A_264 : i32
      %add3A_266 = arith.addi %mul3A_2, %mul3A_265 : i32
      %dma_start3A_267 = tpu.memref_slice %arg4[%add3A_266] : memref<327680xi32, #tpu.memory_space<hbm>> -> memref<64xi32, #tpu.memory_space<hbm>>
      %dma_start3A_268 = tpu.memref_slice %arg4[%add3A_266] : memref<327680xi32, #tpu.memory_space<hbm>> -> memref<64xi32, #tpu.memory_space<hbm>>
      tpu.enqueue_dma source(%dma_start3A_268 : memref<64xi32, #tpu.memory_space<hbm>>) target(%arg15 : memref<64xi32, #tpu.memory_space<vmem>>) target_semaphore(%arg32 : memref<!tpu.dma_semaphore, #tpu.memory_space<semaphore_mem>>)
      %dma_wait3A_269 = arith.constant 0 : i32
      %dma_wait3A_270 = tpu.memref_slice %arg3[%dma_wait3A_269] : memref<327680xi32, #tpu.memory_space<hbm>> -> memref<64xi32, #tpu.memory_space<hbm>>
      %dma_wait3A_271 = arith.constant 0 : i32
      %dma_wait3A_272 = tpu.memref_slice %arg3[%dma_wait3A_271] : memref<327680xi32, #tpu.memory_space<hbm>> -> memref<64xi32, #tpu.memory_space<hbm>>
      tpu.wait_dma2 semaphore(%arg31 : memref<!tpu.dma_semaphore, #tpu.memory_space<semaphore_mem>>) src(%dma_wait3A_272 : memref<64xi32, #tpu.memory_space<hbm>>) dst(%arg10 : memref<64xi32, #tpu.memory_space<vmem>>)
      %dma_wait3A_273 = arith.constant 0 : i32
      %dma_wait3A_274 = tpu.memref_slice %arg4[%dma_wait3A_273] : memref<327680xi32, #tpu.memory_space<hbm>> -> memref<64xi32, #tpu.memory_space<hbm>>
      %dma_wait3A_275 = arith.constant 0 : i32
      %dma_wait3A_276 = tpu.memref_slice %arg4[%dma_wait3A_275] : memref<327680xi32, #tpu.memory_space<hbm>> -> memref<64xi32, #tpu.memory_space<hbm>>
      tpu.wait_dma2 semaphore(%arg31 : memref<!tpu.dma_semaphore, #tpu.memory_space<semaphore_mem>>) src(%dma_wait3A_276 : memref<64xi32, #tpu.memory_space<hbm>>) dst(%arg14 : memref<64xi32, #tpu.memory_space<vmem>>)
      %dma_start3A_277 = arith.constant 0 : i32
      %dma_start3A_278 = arith.constant 0 : i32
      %dma_start3A_279 = tpu.memref_slice %arg2[%dma_start3A_277, %dma_start3A_278] : memref<10000x128xf32, #tpu.memory_space<hbm>> -> memref<10000x128xf32, #tpu.memory_space<hbm>>
      tpu.enqueue_indirect_dma source(%dma_start3A_279 : memref<10000x128xf32, #tpu.memory_space<hbm>>) target(%arg18 : memref<64x128xf32, #tpu.memory_space<vmem>>) offsets(%arg10 : memref<64xi32, #tpu.memory_space<vmem>>) semaphore(%arg23 : memref<!tpu.dma_semaphore, #tpu.memory_space<semaphore_mem>>)
      %dma_wait3A_280 = arith.constant 0 : i32
      %dma_wait3A_281 = arith.constant 0 : i32
      %dma_wait3A_282 = tpu.memref_slice %arg2[%dma_wait3A_280, %dma_wait3A_281] : memref<10000x128xf32, #tpu.memory_space<hbm>> -> memref<10000x128xf32, #tpu.memory_space<hbm>>
      tpu.wait_indirect_dma semaphore(%arg22 : memref<!tpu.dma_semaphore, #tpu.memory_space<semaphore_mem>>) src(%dma_wait3A_282 : memref<10000x128xf32, #tpu.memory_space<hbm>>) dst(%arg17 : memref<64x128xf32, #tpu.memory_space<vmem>>)
      %dma_start3A_283 = arith.constant 0 : i32
      %dma_start3A_284 = arith.constant 0 : i32
      %dma_start3A_285 = tpu.memref_slice %arg8[%dma_start3A_283, %dma_start3A_284] : memref<10112x128xf32, #tpu.memory_space<vmem_shared>> -> memref<10112x128xf32, #tpu.memory_space<vmem_shared>>
      tpu.enqueue_indirect_dma source(%arg17 : memref<64x128xf32, #tpu.memory_space<vmem>>) target(%dma_start3A_285 : memref<10112x128xf32, #tpu.memory_space<vmem_shared>>) offsets(%arg13 : memref<64xi32, #tpu.memory_space<vmem>>) semaphore(%arg26 : memref<!tpu.dma_semaphore, #tpu.memory_space<semaphore_mem>>) {add = true}
      %get3A_286 = arith.constant 0 : index
      %get3A_287 = tpu.vector_load %arg13[%get3A_286] {strides = array<i32>} : memref<64xi32, #tpu.memory_space<vmem>>, vector<16xi32>,
      tpu.vector_store_idx %arg21[%get3A_287], %broadcast_in_dim3A_9 {add = true} : memref<10240xf32, #tpu.memory_space<vmem>>[vector<16xi32>], vector<16xf32>,
      %get3A_288 = arith.constant 16 : index
      %get3A_289 = tpu.vector_load %arg13[%get3A_288] {strides = array<i32>} : memref<64xi32, #tpu.memory_space<vmem>>, vector<16xi32>,
      tpu.vector_store_idx %arg21[%get3A_289], %broadcast_in_dim3A_9 {add = true} : memref<10240xf32, #tpu.memory_space<vmem>>[vector<16xi32>], vector<16xf32>,
      %get3A_290 = arith.constant 32 : index
      %get3A_291 = tpu.vector_load %arg13[%get3A_290] {strides = array<i32>} : memref<64xi32, #tpu.memory_space<vmem>>, vector<16xi32>,
      tpu.vector_store_idx %arg21[%get3A_291], %broadcast_in_dim3A_9 {add = true} : memref<10240xf32, #tpu.memory_space<vmem>>[vector<16xi32>], vector<16xf32>,
      %get3A_292 = arith.constant 48 : index
      %get3A_293 = tpu.vector_load %arg13[%get3A_292] {strides = array<i32>} : memref<64xi32, #tpu.memory_space<vmem>>, vector<16xi32>,
      tpu.vector_store_idx %arg21[%get3A_293], %broadcast_in_dim3A_9 {add = true} : memref<10240xf32, #tpu.memory_space<vmem>>[vector<16xi32>], vector<16xf32>,
      %dma_wait3A_294 = arith.constant 0 : i32
      %dma_wait3A_295 = arith.constant 0 : i32
      %dma_wait3A_296 = tpu.memref_slice %arg8[%dma_wait3A_294, %dma_wait3A_295] : memref<10112x128xf32, #tpu.memory_space<vmem_shared>> -> memref<10112x128xf32, #tpu.memory_space<vmem_shared>>
      tpu.wait_indirect_dma semaphore(%arg29 : memref<!tpu.dma_semaphore, #tpu.memory_space<semaphore_mem>>) src(%arg20 : memref<64x128xf32, #tpu.memory_space<vmem>>) dst(%dma_wait3A_296 : memref<10112x128xf32, #tpu.memory_space<vmem_shared>>)
      %add3A_297 = arith.constant 3 : i32
      %add3A_298 = arith.addi %add3A_167, %add3A_297 : i32
      %add3A_299 = arith.constant 2 : i32
      %add3A_300 = arith.addi %add3A_298, %add3A_299 : i32
      %mul3A_301 = arith.constant 64 : i32
      %mul3A_302 = arith.muli %add3A_300, %mul3A_301 : i32
      %add3A_303 = arith.addi %mul3A_2, %mul3A_302 : i32
      %dma_start3A_304 = tpu.memref_slice %arg3[%add3A_303] : memref<327680xi32, #tpu.memory_space<hbm>> -> memref<64xi32, #tpu.memory_space<hbm>>
      %dma_start3A_305 = tpu.memref_slice %arg3[%add3A_303] : memref<327680xi32, #tpu.memory_space<hbm>> -> memref<64xi32, #tpu.memory_space<hbm>>
      tpu.enqueue_dma source(%dma_start3A_305 : memref<64xi32, #tpu.memory_space<hbm>>) target(%arg12 : memref<64xi32, #tpu.memory_space<vmem>>) target_semaphore(%arg33 : memref<!tpu.dma_semaphore, #tpu.memory_space<semaphore_mem>>)
      %mul3A_306 = arith.constant 64 : i32
      %mul3A_307 = arith.muli %add3A_300, %mul3A_306 : i32
      %add3A_308 = arith.addi %mul3A_2, %mul3A_307 : i32
      %dma_start3A_309 = tpu.memref_slice %arg4[%add3A_308] : memref<327680xi32, #tpu.memory_space<hbm>> -> memref<64xi32, #tpu.memory_space<hbm>>
      %dma_start3A_310 = tpu.memref_slice %arg4[%add3A_308] : memref<327680xi32, #tpu.memory_space<hbm>> -> memref<64xi32, #tpu.memory_space<hbm>>
      tpu.enqueue_dma source(%dma_start3A_310 : memref<64xi32, #tpu.memory_space<hbm>>) target(%arg16 : memref<64xi32, #tpu.memory_space<vmem>>) target_semaphore(%arg33 : memref<!tpu.dma_semaphore, #tpu.memory_space<semaphore_mem>>)
      %dma_wait3A_311 = arith.constant 0 : i32
      %dma_wait3A_312 = tpu.memref_slice %arg3[%dma_wait3A_311] : memref<327680xi32, #tpu.memory_space<hbm>> -> memref<64xi32, #tpu.memory_space<hbm>>
      %dma_wait3A_313 = arith.constant 0 : i32
      %dma_wait3A_314 = tpu.memref_slice %arg3[%dma_wait3A_313] : memref<327680xi32, #tpu.memory_space<hbm>> -> memref<64xi32, #tpu.memory_space<hbm>>
      tpu.wait_dma2 semaphore(%arg32 : memref<!tpu.dma_semaphore, #tpu.memory_space<semaphore_mem>>) src(%dma_wait3A_314 : memref<64xi32, #tpu.memory_space<hbm>>) dst(%arg11 : memref<64xi32, #tpu.memory_space<vmem>>)
      %dma_wait3A_315 = arith.constant 0 : i32
      %dma_wait3A_316 = tpu.memref_slice %arg4[%dma_wait3A_315] : memref<327680xi32, #tpu.memory_space<hbm>> -> memref<64xi32, #tpu.memory_space<hbm>>
      %dma_wait3A_317 = arith.constant 0 : i32
      %dma_wait3A_318 = tpu.memref_slice %arg4[%dma_wait3A_317] : memref<327680xi32, #tpu.memory_space<hbm>> -> memref<64xi32, #tpu.memory_space<hbm>>
      tpu.wait_dma2 semaphore(%arg32 : memref<!tpu.dma_semaphore, #tpu.memory_space<semaphore_mem>>) src(%dma_wait3A_318 : memref<64xi32, #tpu.memory_space<hbm>>) dst(%arg15 : memref<64xi32, #tpu.memory_space<vmem>>)
      %dma_start3A_319 = arith.constant 0 : i32
      %dma_start3A_320 = arith.constant 0 : i32
      %dma_start3A_321 = tpu.memref_slice %arg2[%dma_start3A_319, %dma_start3A_320] : memref<10000x128xf32, #tpu.memory_space<hbm>> -> memref<10000x128xf32, #tpu.memory_space<hbm>>
      tpu.enqueue_indirect_dma source(%dma_start3A_321 : memref<10000x128xf32, #tpu.memory_space<hbm>>) target(%arg19 : memref<64x128xf32, #tpu.memory_space<vmem>>) offsets(%arg11 : memref<64xi32, #tpu.memory_space<vmem>>) semaphore(%arg24 : memref<!tpu.dma_semaphore, #tpu.memory_space<semaphore_mem>>)
      %dma_wait3A_322 = arith.constant 0 : i32
      %dma_wait3A_323 = arith.constant 0 : i32
      %dma_wait3A_324 = tpu.memref_slice %arg2[%dma_wait3A_322, %dma_wait3A_323] : memref<10000x128xf32, #tpu.memory_space<hbm>> -> memref<10000x128xf32, #tpu.memory_space<hbm>>
      tpu.wait_indirect_dma semaphore(%arg23 : memref<!tpu.dma_semaphore, #tpu.memory_space<semaphore_mem>>) src(%dma_wait3A_324 : memref<10000x128xf32, #tpu.memory_space<hbm>>) dst(%arg18 : memref<64x128xf32, #tpu.memory_space<vmem>>)
      %dma_start3A_325 = arith.constant 0 : i32
      %dma_start3A_326 = arith.constant 0 : i32
      %dma_start3A_327 = tpu.memref_slice %arg8[%dma_start3A_325, %dma_start3A_326] : memref<10112x128xf32, #tpu.memory_space<vmem_shared>> -> memref<10112x128xf32, #tpu.memory_space<vmem_shared>>
      tpu.enqueue_indirect_dma source(%arg18 : memref<64x128xf32, #tpu.memory_space<vmem>>) target(%dma_start3A_327 : memref<10112x128xf32, #tpu.memory_space<vmem_shared>>) offsets(%arg14 : memref<64xi32, #tpu.memory_space<vmem>>) semaphore(%arg27 : memref<!tpu.dma_semaphore, #tpu.memory_space<semaphore_mem>>) {add = true}
      %get3A_328 = arith.constant 0 : index
      %get3A_329 = tpu.vector_load %arg14[%get3A_328] {strides = array<i32>} : memref<64xi32, #tpu.memory_space<vmem>>, vector<16xi32>,
      tpu.vector_store_idx %arg21[%get3A_329], %broadcast_in_dim3A_9 {add = true} : memref<10240xf32, #tpu.memory_space<vmem>>[vector<16xi32>], vector<16xf32>,
      %get3A_330 = arith.constant 16 : index
      %get3A_331 = tpu.vector_load %arg14[%get3A_330] {strides = array<i32>} : memref<64xi32, #tpu.memory_space<vmem>>, vector<16xi32>,
      tpu.vector_store_idx %arg21[%get3A_331], %broadcast_in_dim3A_9 {add = true} : memref<10240xf32, #tpu.memory_space<vmem>>[vector<16xi32>], vector<16xf32>,
      %get3A_332 = arith.constant 32 : index
      %get3A_333 = tpu.vector_load %arg14[%get3A_332] {strides = array<i32>} : memref<64xi32, #tpu.memory_space<vmem>>, vector<16xi32>,
      tpu.vector_store_idx %arg21[%get3A_333], %broadcast_in_dim3A_9 {add = true} : memref<10240xf32, #tpu.memory_space<vmem>>[vector<16xi32>], vector<16xf32>,
      %get3A_334 = arith.constant 48 : index
      %get3A_335 = tpu.vector_load %arg14[%get3A_334] {strides = array<i32>} : memref<64xi32, #tpu.memory_space<vmem>>, vector<16xi32>,
      tpu.vector_store_idx %arg21[%get3A_335], %broadcast_in_dim3A_9 {add = true} : memref<10240xf32, #tpu.memory_space<vmem>>[vector<16xi32>], vector<16xf32>,
    }
    %scan3A_104 = arith.constant 39 : i32
    %dma_wait3A_105 = arith.constant 0 : i32
    %dma_wait3A_106 = arith.constant 0 : i32
    %dma_wait3A_107 = tpu.memref_slice %arg8[%dma_wait3A_105, %dma_wait3A_106] : memref<10112x128xf32, #tpu.memory_space<vmem_shared>> -> memref<10112x128xf32, #tpu.memory_space<vmem_shared>>
    tpu.wait_indirect_dma semaphore(%arg26 : memref<!tpu.dma_semaphore, #tpu.memory_space<semaphore_mem>>) src(%arg17 : memref<64x128xf32, #tpu.memory_space<vmem>>) dst(%dma_wait3A_107 : memref<10112x128xf32, #tpu.memory_space<vmem_shared>>)
    %dma_wait3A_108 = arith.constant 0 : i32
    %dma_wait3A_109 = tpu.memref_slice %arg3[%dma_wait3A_108] : memref<327680xi32, #tpu.memory_space<hbm>> -> memref<64xi32, #tpu.memory_space<hbm>>
    %dma_wait3A_110 = arith.constant 0 : i32
    %dma_wait3A_111 = tpu.memref_slice %arg3[%dma_wait3A_110] : memref<327680xi32, #tpu.memory_space<hbm>> -> memref<64xi32, #tpu.memory_space<hbm>>
    tpu.wait_dma2 semaphore(%arg33 : memref<!tpu.dma_semaphore, #tpu.memory_space<semaphore_mem>>) src(%dma_wait3A_111 : memref<64xi32, #tpu.memory_space<hbm>>) dst(%arg12 : memref<64xi32, #tpu.memory_space<vmem>>)
    %dma_wait3A_112 = arith.constant 0 : i32
    %dma_wait3A_113 = tpu.memref_slice %arg4[%dma_wait3A_112] : memref<327680xi32, #tpu.memory_space<hbm>> -> memref<64xi32, #tpu.memory_space<hbm>>
    %dma_wait3A_114 = arith.constant 0 : i32
    %dma_wait3A_115 = tpu.memref_slice %arg4[%dma_wait3A_114] : memref<327680xi32, #tpu.memory_space<hbm>> -> memref<64xi32, #tpu.memory_space<hbm>>
    tpu.wait_dma2 semaphore(%arg33 : memref<!tpu.dma_semaphore, #tpu.memory_space<semaphore_mem>>) src(%dma_wait3A_115 : memref<64xi32, #tpu.memory_space<hbm>>) dst(%arg16 : memref<64xi32, #tpu.memory_space<vmem>>)
    %dma_start3A_116 = arith.constant 0 : i32
    %dma_start3A_117 = arith.constant 0 : i32
    %dma_start3A_118 = tpu.memref_slice %arg2[%dma_start3A_116, %dma_start3A_117] : memref<10000x128xf32, #tpu.memory_space<hbm>> -> memref<10000x128xf32, #tpu.memory_space<hbm>>
    tpu.enqueue_indirect_dma source(%dma_start3A_118 : memref<10000x128xf32, #tpu.memory_space<hbm>>) target(%arg20 : memref<64x128xf32, #tpu.memory_space<vmem>>) offsets(%arg12 : memref<64xi32, #tpu.memory_space<vmem>>) semaphore(%arg25 : memref<!tpu.dma_semaphore, #tpu.memory_space<semaphore_mem>>)
    %dma_wait3A_119 = arith.constant 0 : i32
    %dma_wait3A_120 = arith.constant 0 : i32
    %dma_wait3A_121 = tpu.memref_slice %arg2[%dma_wait3A_119, %dma_wait3A_120] : memref<10000x128xf32, #tpu.memory_space<hbm>> -> memref<10000x128xf32, #tpu.memory_space<hbm>>
    tpu.wait_indirect_dma semaphore(%arg24 : memref<!tpu.dma_semaphore, #tpu.memory_space<semaphore_mem>>) src(%dma_wait3A_121 : memref<10000x128xf32, #tpu.memory_space<hbm>>) dst(%arg19 : memref<64x128xf32, #tpu.memory_space<vmem>>)
    %dma_start3A_122 = arith.constant 0 : i32
    %dma_start3A_123 = arith.constant 0 : i32
    %dma_start3A_124 = tpu.memref_slice %arg8[%dma_start3A_122, %dma_start3A_123] : memref<10112x128xf32, #tpu.memory_space<vmem_shared>> -> memref<10112x128xf32, #tpu.memory_space<vmem_shared>>
    tpu.enqueue_indirect_dma source(%arg19 : memref<64x128xf32, #tpu.memory_space<vmem>>) target(%dma_start3A_124 : memref<10112x128xf32, #tpu.memory_space<vmem_shared>>) offsets(%arg15 : memref<64xi32, #tpu.memory_space<vmem>>) semaphore(%arg28 : memref<!tpu.dma_semaphore, #tpu.memory_space<semaphore_mem>>) {add = true}
    %get3A_125 = arith.constant 0 : index
    %get3A_126 = tpu.vector_load %arg15[%get3A_125] {strides = array<i32>} : memref<64xi32, #tpu.memory_space<vmem>>, vector<16xi32>,
    tpu.vector_store_idx %arg21[%get3A_126], %broadcast_in_dim3A_9 {add = true} : memref<10240xf32, #tpu.memory_space<vmem>>[vector<16xi32>], vector<16xf32>,
    %get3A_127 = arith.constant 16 : index
    %get3A_128 = tpu.vector_load %arg15[%get3A_127] {strides = array<i32>} : memref<64xi32, #tpu.memory_space<vmem>>, vector<16xi32>,
    tpu.vector_store_idx %arg21[%get3A_128], %broadcast_in_dim3A_9 {add = true} : memref<10240xf32, #tpu.memory_space<vmem>>[vector<16xi32>], vector<16xf32>,
    %get3A_129 = arith.constant 32 : index
    %get3A_130 = tpu.vector_load %arg15[%get3A_129] {strides = array<i32>} : memref<64xi32, #tpu.memory_space<vmem>>, vector<16xi32>,
    tpu.vector_store_idx %arg21[%get3A_130], %broadcast_in_dim3A_9 {add = true} : memref<10240xf32, #tpu.memory_space<vmem>>[vector<16xi32>], vector<16xf32>,
    %get3A_131 = arith.constant 48 : index
    %get3A_132 = tpu.vector_load %arg15[%get3A_131] {strides = array<i32>} : memref<64xi32, #tpu.memory_space<vmem>>, vector<16xi32>,
    tpu.vector_store_idx %arg21[%get3A_132], %broadcast_in_dim3A_9 {add = true} : memref<10240xf32, #tpu.memory_space<vmem>>[vector<16xi32>], vector<16xf32>,
    %dma_wait3A_133 = arith.constant 0 : i32
    %dma_wait3A_134 = arith.constant 0 : i32
    %dma_wait3A_135 = tpu.memref_slice %arg8[%dma_wait3A_133, %dma_wait3A_134] : memref<10112x128xf32, #tpu.memory_space<vmem_shared>> -> memref<10112x128xf32, #tpu.memory_space<vmem_shared>>
    tpu.wait_indirect_dma semaphore(%arg27 : memref<!tpu.dma_semaphore, #tpu.memory_space<semaphore_mem>>) src(%arg18 : memref<64x128xf32, #tpu.memory_space<vmem>>) dst(%dma_wait3A_135 : memref<10112x128xf32, #tpu.memory_space<vmem_shared>>)
    %dma_wait3A_136 = arith.constant 0 : i32
    %dma_wait3A_137 = arith.constant 0 : i32
    %dma_wait3A_138 = tpu.memref_slice %arg2[%dma_wait3A_136, %dma_wait3A_137] : memref<10000x128xf32, #tpu.memory_space<hbm>> -> memref<10000x128xf32, #tpu.memory_space<hbm>>
    tpu.wait_indirect_dma semaphore(%arg25 : memref<!tpu.dma_semaphore, #tpu.memory_space<semaphore_mem>>) src(%dma_wait3A_138 : memref<10000x128xf32, #tpu.memory_space<hbm>>) dst(%arg20 : memref<64x128xf32, #tpu.memory_space<vmem>>)
    %dma_start3A_139 = arith.constant 0 : i32
    %dma_start3A_140 = arith.constant 0 : i32
    %dma_start3A_141 = tpu.memref_slice %arg8[%dma_start3A_139, %dma_start3A_140] : memref<10112x128xf32, #tpu.memory_space<vmem_shared>> -> memref<10112x128xf32, #tpu.memory_space<vmem_shared>>
    tpu.enqueue_indirect_dma source(%arg20 : memref<64x128xf32, #tpu.memory_space<vmem>>) target(%dma_start3A_141 : memref<10112x128xf32, #tpu.memory_space<vmem_shared>>) offsets(%arg16 : memref<64xi32, #tpu.memory_space<vmem>>) semaphore(%arg29 : memref<!tpu.dma_semaphore, #tpu.memory_space<semaphore_mem>>) {add = true}
    %get3A_142 = arith.constant 0 : index
    %get3A_143 = tpu.vector_load %arg16[%get3A_142] {strides = array<i32>} : memref<64xi32, #tpu.memory_space<vmem>>, vector<16xi32>,
    tpu.vector_store_idx %arg21[%get3A_143], %broadcast_in_dim3A_9 {add = true} : memref<10240xf32, #tpu.memory_space<vmem>>[vector<16xi32>], vector<16xf32>,
    %get3A_144 = arith.constant 16 : index
    %get3A_145 = tpu.vector_load %arg16[%get3A_144] {strides = array<i32>} : memref<64xi32, #tpu.memory_space<vmem>>, vector<16xi32>,
    tpu.vector_store_idx %arg21[%get3A_145], %broadcast_in_dim3A_9 {add = true} : memref<10240xf32, #tpu.memory_space<vmem>>[vector<16xi32>], vector<16xf32>,
    %get3A_146 = arith.constant 32 : index
    %get3A_147 = tpu.vector_load %arg16[%get3A_146] {strides = array<i32>} : memref<64xi32, #tpu.memory_space<vmem>>, vector<16xi32>,
    tpu.vector_store_idx %arg21[%get3A_147], %broadcast_in_dim3A_9 {add = true} : memref<10240xf32, #tpu.memory_space<vmem>>[vector<16xi32>], vector<16xf32>,
    %get3A_148 = arith.constant 48 : index
    %get3A_149 = tpu.vector_load %arg16[%get3A_148] {strides = array<i32>} : memref<64xi32, #tpu.memory_space<vmem>>, vector<16xi32>,
    tpu.vector_store_idx %arg21[%get3A_149], %broadcast_in_dim3A_9 {add = true} : memref<10240xf32, #tpu.memory_space<vmem>>[vector<16xi32>], vector<16xf32>,
    %dma_wait3A_150 = arith.constant 0 : i32
    %dma_wait3A_151 = arith.constant 0 : i32
    %dma_wait3A_152 = tpu.memref_slice %arg8[%dma_wait3A_150, %dma_wait3A_151] : memref<10112x128xf32, #tpu.memory_space<vmem_shared>> -> memref<10112x128xf32, #tpu.memory_space<vmem_shared>>
    tpu.wait_indirect_dma semaphore(%arg28 : memref<!tpu.dma_semaphore, #tpu.memory_space<semaphore_mem>>) src(%arg19 : memref<64x128xf32, #tpu.memory_space<vmem>>) dst(%dma_wait3A_152 : memref<10112x128xf32, #tpu.memory_space<vmem_shared>>)
    %dma_wait3A_153 = arith.constant 0 : i32
    %dma_wait3A_154 = arith.constant 0 : i32
    %dma_wait3A_155 = tpu.memref_slice %arg8[%dma_wait3A_153, %dma_wait3A_154] : memref<10112x128xf32, #tpu.memory_space<vmem_shared>> -> memref<10112x128xf32, #tpu.memory_space<vmem_shared>>
    tpu.wait_indirect_dma semaphore(%arg29 : memref<!tpu.dma_semaphore, #tpu.memory_space<semaphore_mem>>) src(%arg20 : memref<64x128xf32, #tpu.memory_space<vmem>>) dst(%dma_wait3A_155 : memref<10112x128xf32, #tpu.memory_space<vmem_shared>>)
    %barrier3A_156 = arith.constant 0 : index
    tpu.barrier barrier_id(%barrier3A_156)
    %mul3A_157 = arith.constant 632 : i32
    %mul3A_158 = arith.muli %arg1, %mul3A_157 : i32
    %mul3A_159 = arith.constant 632 : i32
    %mul3A_160 = arith.muli %arg1, %mul3A_159 : i32
    "tpu.region"() ({
      %run_scoped3A = tpu.sem_alloc : memref<!tpu.dma_semaphore, #tpu.memory_space<semaphore_mem>>
      %dma_start3A_163 = arith.constant 0 : i32
      %dma_start3A_164 = tpu.memref_slice %arg6[%arg0, %mul3A_160, %dma_start3A_163] : memref<2x10112x128xf32, #tpu.memory_space<hbm>> -> memref<1x632x128xf32, #tpu.memory_space<hbm>>
      %dma_start3A_165 = tpu.memref_squeeze %dma_start3A_164 : memref<1x632x128xf32, #tpu.memory_space<hbm>> -> memref<632x128xf32, #tpu.memory_space<hbm>>
      %dma_start3A_166 = arith.constant 0 : i32
      %dma_start3A_167 = tpu.memref_slice %arg8[%mul3A_158, %dma_start3A_166] : memref<10112x128xf32, #tpu.memory_space<vmem_shared>> -> memref<632x128xf32, #tpu.memory_space<vmem_shared>>
      tpu.enqueue_dma source(%dma_start3A_167 : memref<632x128xf32, #tpu.memory_space<vmem_shared>>) target(%dma_start3A_165 : memref<632x128xf32, #tpu.memory_space<hbm>>) target_semaphore(%run_scoped3A : memref<!tpu.dma_semaphore, #tpu.memory_space<semaphore_mem>>)
      %dma_wait3A_168 = arith.constant 0 : i32
      %dma_wait3A_169 = tpu.memref_slice %arg6[%arg0, %mul3A_160, %dma_wait3A_168] : memref<2x10112x128xf32, #tpu.memory_space<hbm>> -> memref<1x632x128xf32, #tpu.memory_space<hbm>>
      %dma_wait3A_170 = tpu.memref_squeeze %dma_wait3A_169 : memref<1x632x128xf32, #tpu.memory_space<hbm>> -> memref<632x128xf32, #tpu.memory_space<hbm>>
      %dma_wait3A_171 = arith.constant 0 : i32
      %dma_wait3A_172 = tpu.memref_slice %arg8[%mul3A_158, %dma_wait3A_171] : memref<10112x128xf32, #tpu.memory_space<vmem_shared>> -> memref<632x128xf32, #tpu.memory_space<vmem_shared>>
      tpu.wait_dma2 semaphore(%run_scoped3A : memref<!tpu.dma_semaphore, #tpu.memory_space<semaphore_mem>>) src(%dma_wait3A_172 : memref<632x128xf32, #tpu.memory_space<vmem_shared>>) dst(%dma_wait3A_170 : memref<632x128xf32, #tpu.memory_space<hbm>>)
      tpu.yield
    }) : () -> ()
    %mul3A_161 = arith.constant 10240 : i32
    %mul3A_162 = arith.muli %add3A, %mul3A_161 : i32
    "tpu.region"() ({
      %run_scoped3A = tpu.sem_alloc : memref<!tpu.dma_semaphore, #tpu.memory_space<semaphore_mem>>
      %dma_start3A_163 = tpu.memref_slice %arg7[%mul3A_162] : memref<327680xf32, #tpu.memory_space<hbm>> -> memref<10240xf32, #tpu.memory_space<hbm>>
      %dma_start3A_164 = tpu.memref_slice %arg7[%mul3A_162] : memref<327680xf32, #tpu.memory_space<hbm>> -> memref<10240xf32, #tpu.memory_space<hbm>>
      tpu.enqueue_dma source(%arg21 : memref<10240xf32, #tpu.memory_space<vmem>>) target(%dma_start3A_164 : memref<10240xf32, #tpu.memory_space<hbm>>) target_semaphore(%run_scoped3A : memref<!tpu.dma_semaphore, #tpu.memory_space<semaphore_mem>>)
      %dma_wait3A_165 = tpu.memref_slice %arg7[%mul3A_162] : memref<327680xf32, #tpu.memory_space<hbm>> -> memref<10240xf32, #tpu.memory_space<hbm>>
      %dma_wait3A_166 = tpu.memref_slice %arg7[%mul3A_162] : memref<327680xf32, #tpu.memory_space<hbm>> -> memref<10240xf32, #tpu.memory_space<hbm>>
      tpu.wait_dma2 semaphore(%run_scoped3A : memref<!tpu.dma_semaphore, #tpu.memory_space<semaphore_mem>>) src(%arg21 : memref<10240xf32, #tpu.memory_space<vmem>>) dst(%dma_wait3A_166 : memref<10240xf32, #tpu.memory_space<hbm>>)
      tpu.yield
    }) : () -> ()
    return
  }
}

module attributes {stable_mosaic.version = 14 : i64} {
  func.func @body(%arg0: memref<32x80x128xf32, #tpu.memory_space<vmem>>, %arg1: memref<80x128xf32, #tpu.memory_space<vmem>>) attributes {dimension_semantics = [], scalar_prefetch = 0 : i64, scratch_operands = 0 : i64, tpu.core_type = #tpu.core_type<tc>} {
    %get3A = arith.constant 0 : index
    %get3A_0 = arith.constant 0 : index
    %get3A_1 = arith.constant 0 : index
    %get3A_2 = vector.load %arg0[%get3A, %get3A_0, %get3A_1] : memref<32x80x128xf32, #tpu.memory_space<vmem>>, vector<32x80x128xf32>
    %reduce_sum3A = arith.constant dense<0.000000e+00> : vector<80x128xf32>
    %reduce_sum3A_3 = vector.multi_reduction <add>, %get3A_2, %reduce_sum3A [0] : vector<32x80x128xf32> to vector<80x128xf32>
    %max3A = arith.constant 1.000000e+00 : f32
    %max3A_4 = vector.broadcast %max3A : f32 to vector<80x128xf32>
    %max3A_5 = arith.maximumf %reduce_sum3A_3, %max3A_4 : vector<80x128xf32>
    %div3A = arith.constant 1.000000e+00 : f32
    %div3A_6 = vector.broadcast %div3A : f32 to vector<80x128xf32>
    %div3A_7 = arith.divf %div3A_6, %max3A_5 : vector<80x128xf32>
    %swap3A = arith.constant 0 : index
    %swap3A_8 = arith.constant 0 : index
    %swap3A_9 = vector.load %arg1[%swap3A, %swap3A_8] : memref<80x128xf32, #tpu.memory_space<vmem>>, vector<80x128xf32>
    tpu.vector_store %arg1[%swap3A, %swap3A_8], %div3A_7 {strides = array<i32>} : memref<80x128xf32, #tpu.memory_space<vmem>>, vector<80x128xf32>,
    return
  }
}

module attributes {stable_mosaic.version = 14 : i64} {
  func.func @body(%arg0: i32, %arg1: memref<1000x128xf32, #tpu.memory_space<vmem>>, %arg2: memref<2x1000x128xf32, #tpu.memory_space<vmem>>, %arg3: memref<1000x1xf32, #tpu.memory_space<vmem>>, %arg4: memref<128x128xf32, #tpu.memory_space<vmem>>, %arg5: memref<128x128xf32, #tpu.memory_space<vmem>>, %arg6: memref<1000x128xf32, #tpu.memory_space<vmem>>) attributes {dimension_semantics = [#tpu.dimension_semantics<arbitrary>], iteration_bounds = array<i64: 10>, scalar_prefetch = 0 : i64, scratch_operands = 0 : i64, tpu.core_type = #tpu.core_type<tc>, window_params = [{transform_indices = @transform_0, window_bounds = array<i64: 1000, 128>}, {transform_indices = @transform_1, window_bounds = array<i64: 2, 1000, 128>}, {transform_indices = @transform_2, window_bounds = array<i64: 1000, 1>}, {pipeline_mode = #tpu.pipeline_mode<synchronous>, transform_indices = @transform_3, window_bounds = array<i64: 128, 128>}, {pipeline_mode = #tpu.pipeline_mode<synchronous>, transform_indices = @transform_4, window_bounds = array<i64: 128, 128>}, {transform_indices = @transform_5, window_bounds = array<i64: 1000, 128>}]} {
    %get3A = arith.constant 0 : index
    %get3A_0 = arith.constant 0 : index
    %get3A_1 = arith.constant 0 : index
    %get3A_2 = vector.load %arg2[%get3A, %get3A_0, %get3A_1] : memref<2x1000x128xf32, #tpu.memory_space<vmem>>, vector<1x1000x128xf32>
    %get3A_3 = vector.shape_cast %get3A_2 : vector<1x1000x128xf32> to vector<1000x128xf32>
    %get3A_4 = arith.constant 1 : index
    %get3A_5 = arith.constant 0 : index
    %get3A_6 = arith.constant 0 : index
    %get3A_7 = vector.load %arg2[%get3A_4, %get3A_5, %get3A_6] : memref<2x1000x128xf32, #tpu.memory_space<vmem>>, vector<1x1000x128xf32>
    %get3A_8 = vector.shape_cast %get3A_7 : vector<1x1000x128xf32> to vector<1000x128xf32>
    %add3A = arith.addf %get3A_3, %get3A_8 : vector<1000x128xf32>
    %get3A_9 = arith.constant 0 : index
    %get3A_10 = arith.constant 0 : index
    %get3A_11 = vector.load %arg3[%get3A_9, %get3A_10] : memref<1000x1xf32, #tpu.memory_space<vmem>>, vector<1000x1xf32>
    %mul3A = vector.broadcast %get3A_11 : vector<1000x1xf32> to vector<1000x128xf32>
    %mul3A_12 = arith.mulf %add3A, %mul3A : vector<1000x128xf32>
    %get3A_13 = arith.constant 0 : index
    %get3A_14 = arith.constant 0 : index
    %get3A_15 = vector.load %arg1[%get3A_13, %get3A_14] : memref<1000x128xf32, #tpu.memory_space<vmem>>, vector<1000x128xf32>
    %get3A_16 = arith.constant 0 : index
    %get3A_17 = arith.constant 0 : index
    %get3A_18 = vector.load %arg4[%get3A_16, %get3A_17] : memref<128x128xf32, #tpu.memory_space<vmem>>, vector<128x128xf32>
    %dot_general3A = arith.constant dense<0.000000e+00> : vector<1000x128xf32>
    %dot_general3A_19 = tpu.matmul %get3A_15, %get3A_18, %dot_general3A {dimension_numbers = #tpu.dot_dimension_numbers<[1], [0], [0], [1], [0, 0, 1, 1], [], []>, transpose_lhs_hint = false} : vector<1000x128xf32>, vector<128x128xf32>, vector<1000x128xf32> -> vector<1000x128xf32>
    %get3A_20 = arith.constant 0 : index
    %get3A_21 = arith.constant 0 : index
    %get3A_22 = vector.load %arg5[%get3A_20, %get3A_21] : memref<128x128xf32, #tpu.memory_space<vmem>>, vector<128x128xf32>
    %dot_general3A_23 = arith.constant dense<0.000000e+00> : vector<1000x128xf32>
    %dot_general3A_24 = tpu.matmul %mul3A_12, %get3A_22, %dot_general3A_23 {dimension_numbers = #tpu.dot_dimension_numbers<[1], [0], [0], [1], [0, 0, 1, 1], [], []>, transpose_lhs_hint = false} : vector<1000x128xf32>, vector<128x128xf32>, vector<1000x128xf32> -> vector<1000x128xf32>
    %add3A_25 = arith.addf %dot_general3A_19, %dot_general3A_24 : vector<1000x128xf32>
    %swap3A = arith.constant 0 : index
    %swap3A_26 = arith.constant 0 : index
    %swap3A_27 = vector.load %arg6[%swap3A, %swap3A_26] : memref<1000x128xf32, #tpu.memory_space<vmem>>, vector<1000x128xf32>
    tpu.vector_store %arg6[%swap3A, %swap3A_26], %add3A_25 {strides = array<i32>} : memref<1000x128xf32, #tpu.memory_space<vmem>>, vector<1000x128xf32>,
    return
  }
  func.func @transform_0(%arg0: i32) -> (i32, i32) {
    %c0_i32 = arith.constant 0 : i32
    %c0_i32_0 = arith.constant 0 : i32
    return %arg0, %c0_i32 : i32, i32
  }
  func.func @transform_1(%arg0: i32) -> (i32, i32, i32) {
    %c0_i32 = arith.constant 0 : i32
    %c0_i32_0 = arith.constant 0 : i32
    %c0_i32_1 = arith.constant 0 : i32
    return %c0_i32, %arg0, %c0_i32_0 : i32, i32, i32
  }
  func.func @transform_2(%arg0: i32) -> (i32, i32) {
    %c0_i32 = arith.constant 0 : i32
    %c0_i32_0 = arith.constant 0 : i32
    return %arg0, %c0_i32 : i32, i32
  }
  func.func @transform_3(%arg0: i32) -> (i32, i32) {
    %c0_i32 = arith.constant 0 : i32
    %c0_i32_0 = arith.constant 0 : i32
    %c0_i32_1 = arith.constant 0 : i32
    return %c0_i32, %c0_i32_0 : i32, i32
  }
  func.func @transform_4(%arg0: i32) -> (i32, i32) {
    %c0_i32 = arith.constant 0 : i32
    %c0_i32_0 = arith.constant 0 : i32
    %c0_i32_1 = arith.constant 0 : i32
    return %c0_i32, %c0_i32_0 : i32, i32
  }
  func.func @transform_5(%arg0: i32) -> (i32, i32) {
    %c0_i32 = arith.constant 0 : i32
    %c0_i32_0 = arith.constant 0 : i32
    return %arg0, %c0_i32 : i32, i32
  }
}

</mosaic_0001>

<sc_bundles>
// kernel: kernel.5.cloned.1.call-start
scs
__scs_entry_jumppad:
0x0: {  	(pc) =	sbr.rel $0x88, $3  }
0x1: {  	(tag) =	ssettag $0x0;
	lr =	simm.s32 $0x1  }
0x2: {  	[smem:$0x3F9D] =	sst lr;
	_ =	strace $0xD0000000  }
0x3: {  	_ = 	snop  }
0x4: {  	_ = 	snop  }
0x5: {  	_ = 	snop  }
0x6: {  	_ = 	snop  }
0x7: {  	_ = 	snop  }
__scs_overlays_trampoline_lowered:
0x8: {  	[smem:$0x3FAC] =	sst s0  }
0x9: {  	[smem:$0x3FAD] =	sst s1  }
0xa: {  	[smem:$0x3FAE] =	sst s2  }
0xb: {  	[smem:$0x3FAF] =	sst s3  }
0xc: {  	[smem:$0x3FB0] =	sst s4  }
0xd: {  	[smem:$0x3FB1] =	sst s5  }
0xe: {  	[smem:$0x3FB2] =	sst s6  }
0xf: {  	[smem:$0x3FB3] =	sst s7  }
0x10: {  	[smem:$0x3FB4] =	sst s8  }
0x11: {  	[smem:$0x3FB5] =	sst s9;
	s0 =	simm.s32 @!p0 $0x0  }
0x12: {  	s1 =	sld [smem:$0x3F9B];
	s0 =	simm.s32 @p0 $0x1  }
0x13: {  	[smem:$0x3FB6] =	sst s0;
	s0 =	simm.s32 @!p1 $0x0  }
0x14: {  	s2 =	sld [smem:$0x3F9A];
	s0 =	simm.s32 @p1 $0x1  }
0x15: {  	[smem:$0x3FB7] =	sst s0;
	s0 =	simm.s32 @!p2 $0x0  }
0x16: {  	s3 =	sld [smem:$0x3FDB];
	s0 =	simm.s32 @p2 $0x1  }
0x17: {  	s4 =	simm.s32 $0x1BF5;
	[smem:$0x3FB9] =	sst s0  }
0x18: {  	s0 =	sld [smem:$0x3F9C];
	_ =	swait.ge [sflag:s4], $0x0  }
0x19: {  	s7 =	sld [smem:$0x3F9D]  }
0x1a: {  	s8 =	sadd.s32 $0xFFFFE003, lr  }
0x1b: {  	s9 =	sadd.s32 $0xFFFFFEF7, lr;
	s5 =	simm.s32 $0xFFFFFFFF;
	p2 =	slt.u32 s8, $0xFFFFF086  }
0x1c: {  	p1 =	slt.u32 s9, $0xF7A;
	s5 =	simm.s32 @!p2 $0x0  }
0x1d: {  	s5 =	simm.s32 @p1 $0x1;
	p0 =	seq.s32 s7, s2  }
0x1e: {  	s7 =	smul.u32 @!p0 $0xF7A, s2;
	p2 =	seq.s32 @!p0 s5, $0x0  }
0x1f: {  	s9 =	smul.u32 $0xF7A, s1;
	s8 =	simm.s32 @!p0 $0x1BF5;
	p2 =	por !p2, p0  }
0x20: {  	[sflag:s8] =	ssyncset.s32 @!p0 $0xFFFFF086;
	s6 =	sadd.s32 @!p0 s3, s7;
	s7 =	simm.s32 @!p0 $0x108  }
0x21: {  	s3 =	sadd.s32 s3, s9;
	s6 =	sadd.s32 @!p0 $0x88, s6;
	s7 =	simm.s32 @p2 $0x1082  }
0x22: {  	[simem:s7], [sflag:s8] =	dma.local @!p0 [hbm:s6], $0xF7A  }
0x23: {  	s9 =	sor.u32 $0xD0000000, s2;
	s6 =	simm.s32 $0x108;
	_ =	swait.ge @!p0 [sflag:s8], $0x0  }
0x24: {  	s3 =	sadd.s32 $0x88, s3;
	s6 =	simm.s32 @!p1 $0x1082;
	[sflag:s4] =	ssyncset.s32 $0xFFFFF086  }
0x25: {  	[simem:s6], [sflag:s4] =	dma.local [hbm:s3], $0xF7A  }
0x26: {  	[smem:$0x3F9D] =	sst s1;
	(tag) =	ssettag s2;
	_ =	strace s9  }
0x27: {  	s1 =	sld [smem:$0x3FAD]  }
0x28: {  	s2 =	sld [smem:$0x3FAE]  }
0x29: {  	s4 =	sld [smem:$0x3FB0]  }
0x2a: {  	p0 =	seq.s32 s5, $0x0;
	s5 =	sld [smem:$0x3FB1]  }
0x2b: {  	s6 =	sld [smem:$0x3FB2]  }
0x2c: {  	s7 =	sld [smem:$0x3FB3]  }
0x2d: {  	s3 =	simm.s32 $0x108;
	s8 =	sld [smem:$0x3FB4]  }
0x2e: {  	s3 =	simm.s32 @!p0 $0x1082;
	s9 =	sld [smem:$0x3FB5]  }
0x2f: {  	lr =	sadd.s32 s0, s3;
	s0 =	sld [smem:$0x3FAC]  }
0x30: {  	s3 =	sld [smem:$0x3FAF]  }
0x31: {  	[smem:$0x3FB8] =	sst s10  }
0x32: {  	s10 =	sld [smem:$0x3FB6];
	_ =	sdelay $0x3  }
0x33: {  	p0 =	seq.s32 s10, $0x1;
	s10 =	sld [smem:$0x3FB8];
	_ =	sdelay $0x3  }
0x34: {  	[smem:$0x3FB8] =	sst s10  }
0x35: {  	s10 =	sld [smem:$0x3FB7];
	_ =	sdelay $0x3  }
0x36: {  	p1 =	seq.s32 s10, $0x1;
	s10 =	sld [smem:$0x3FB8];
	_ =	sdelay $0x3  }
0x37: {  	[smem:$0x3FB8] =	sst s10  }
0x38: {  	s10 =	sld [smem:$0x3FB9]  }
0x39: {  	_ = 	snop;
	(pc) =	sbr.ind lr, $3  }
0x3a: {  	_ = 	snop  }
0x3b: {  	_ = 	snop  }
0x3c: {  	p2 =	seq.s32 s10, $0x1;
	s10 =	sld [smem:$0x3FB8]  }
0x3d: {  	_ =	shalt  }
0x3e: {  	_ =	shalt  }
0x3f: {  	_ =	shalt  }
0x40: {  	_ =	shalt  }
0x41: {  	_ =	shalt  }
0x42: {  	_ =	shalt  }
0x43: {  	_ =	shalt  }
0x44: {  	_ =	shalt  }
0x45: {  	_ =	shalt  }
0x46: {  	_ =	shalt  }
0x47: {  	_ =	shalt  }
0x48: {  	_ =	shalt  }
0x49: {  	_ =	shalt  }
0x4a: {  	_ =	shalt  }
0x4b: {  	_ =	shalt  }
0x4c: {  	_ =	shalt  }
0x4d: {  	_ =	shalt  }
0x4e: {  	_ =	shalt  }
0x4f: {  	_ =	shalt  }
0x50: {  	_ =	shalt  }
0x51: {  	_ =	shalt  }
0x52: {  	_ =	shalt  }
0x53: {  	_ =	shalt  }
0x54: {  	_ =	shalt  }
0x55: {  	_ =	shalt  }
0x56: {  	_ =	shalt  }
0x57: {  	_ =	shalt  }
0x58: {  	_ =	shalt  }
0x59: {  	_ =	shalt  }
0x5a: {  	_ =	shalt  }
0x5b: {  	_ =	shalt  }
0x5c: {  	_ =	shalt  }
0x5d: {  	_ =	shalt  }
0x5e: {  	_ =	shalt  }
0x5f: {  	_ =	shalt  }
0x60: {  	_ =	shalt  }
0x61: {  	_ =	shalt  }
0x62: {  	_ =	shalt  }
0x63: {  	_ =	shalt  }
0x64: {  	_ =	shalt  }
0x65: {  	_ =	shalt  }
0x66: {  	_ =	shalt  }
0x67: {  	_ =	shalt  }
0x68: {  	_ =	shalt  }
0x69: {  	_ =	shalt  }
0x6a: {  	_ =	shalt  }
0x6b: {  	_ =	shalt  }
0x6c: {  	_ =	shalt  }
0x6d: {  	_ =	shalt  }
0x6e: {  	_ =	shalt  }
0x6f: {  	_ =	shalt  }
0x70: {  	_ =	shalt  }
0x71: {  	_ =	shalt  }
0x72: {  	_ =	shalt  }
0x73: {  	_ =	shalt  }
0x74: {  	_ =	shalt  }
0x75: {  	_ =	shalt  }
0x76: {  	_ =	shalt  }
0x77: {  	_ =	shalt  }
0x78: {  	_ =	shalt  }
0x79: {  	_ =	shalt  }
0x7a: {  	_ =	shalt  }
0x7b: {  	_ =	shalt  }
0x7c: {  	_ =	shalt  }
0x7d: {  	_ =	shalt  }
0x7e: {  	_ =	shalt  }
0x7f: {  	_ =	shalt  }
0x80: {  	_ =	shalt  }
0x81: {  	_ =	shalt  }
0x82: {  	_ =	shalt  }
0x83: {  	_ =	shalt  }
0x84: {  	_ =	shalt  }
0x85: {  	_ =	shalt  }
0x86: {  	_ =	shalt  }
0x87: {  	_ =	shalt  }
.Lfunc_end0:
.L_simem_size_0:
called_computation_lowered:
.L_overlay_start_0:
0x88: {  	s2 =	sld [smem:$0x3FD9]  }
0x89: {  	s3 =	sld [smem:$0x3FFE];
	_ =	sdelay $0x1  }
0x8a: {  	s1 =	srdreg.scid  }
0x8b: {  	s0 =	sand.u32 $0x1, s1  }
0x8c: {  	s17 =	sshll.u32 s0, $0xA;
	s2 =	sadd.s32 s3, s2  }
0x8d: {  	s2 =	sadd.s32 s2, s17  }
0x8e: {  	[smem:$0x3FC4] =	sst s2  }
0x8f: {  	_ = 	snop  }
0x90: {  	s2 =	sld [smem:$0x3FC9]  }
0x91: {  	s18 =	sld [smem:$0x3FD0];
	(tm) =	ssettm $0x1  }
0x92: {  	s4 =	sld [smem:$0x3FFB];
	_ =	sdelay $0x3  }
0x93: {  	_ =	strace s4  }
0x94: {  	s4 =	sld [smem:$0x3FFC];
	_ =	sdelay $0x3  }
0x95: {  	_ =	strace s4  }
0x96: {  	s4 =	sld [smem:$0x3FFD];
	_ =	sdelay $0x3  }
0x97: {  	_ =	strace s4  }
0x98: {  	_ =	strace $0x8FFFFFFF  }
0x99: {  	s19 =	sld [smem:$0x3FDB];
	_ =	sdelay $0x1  }
0x9a: {  	s5 =	simm.s32 $_scs_section_size  }
0x9b: {  	s6 =	simm.s32 $_size__tile_overlayer_lowered;
	s7 =	simm.s32 $_tile_overlayer_lowered  }
0x9c: {  	s22 =	simm.s32 $0x1BFF;
	s21 =	sshll.u32 s7, $0x1;
	s4 =	sadd.s32 s5, s19  }
0x9d: {  	s8 =	simm.s32 $0x0;
	s20 =	sshll.u32 s6, $0x1;
	s6 =	sadd.s32 s21, s4  }
0x9e: {  	[timem:s8], [sflag:s22] =	dma.local [hbm:s6], s20  }
0x9f: {  	_ =	swait.ge [sflag:s22], s20  }
0xa0: {  	s5 =	ssub.s32 $0x0, s20;
	[sflag:s22] =	ssyncset.done $0x0  }
0xa1: {  	[sflag:s22] =	ssyncadd.s32 s5;
	_ =	sdelay $0x1  }
0xa2: {  	s23 =	simm.s32 $0x1B8B  }
0xa3: {  	_ =	swait.ge [sflag:s23], $0x1  }
0xa4: {  	[sflag:s23] =	ssyncset.done $0x0  }
0xa5: {  	s25 =	simm.s32 $0x1B8E;
	s24 =	sld [smem:$0x3FFE];
	[sflag:s23] =	ssyncadd.s32 $0xFFFFFFFF  }
0xa6: {  	s26 =	simm.s32 $execute0_lowered;
	[smem:$0x3FD2] =	sst s25  }
0xa7: {  	s6 =	sshll.u32 s26, $0x1;
	_ =	strace $0x80000046;
	[dreg:$0x1] =	wrdreg $0xFFFFFFFF  }
0xa8: {  	s28 =	simm.s32 $_size_execute0_lowered;
	s4 =	sadd.s32 s4, s6;
	[dreg:$0x0] =	wrdreg $0x0  }
0xa9: {  	s6 =	sshll.u32 s28, $0x1;
	[dreg:$0x2] =	wrdreg s4  }
0xaa: {  	[dreg:$0x3] =	wrdreg s6  }
0xab: {  	[dreg:$0x4] =	wrdreg $0xC0  }
0xac: {  	_ =	task [dreg:s8], $0x5FFFF  }
0xad: {  	[dreg:$0x1] =	wrdreg $0xFFFFFFFF  }
0xae: {  	[dreg:$0x0] =	wrdreg $0x60  }
0xaf: {  	[dreg:$0x2] =	wrdreg s2  }
0xb0: {  	[dreg:$0x3] =	wrdreg s18  }
0xb1: {  	[dreg:$0x4] =	wrdreg s24  }
0xb2: {  	[dreg:$0x5] =	wrdreg $0x0  }
0xb3: {  	[dreg:$0x6] =	wrdreg $0x9  }
0xb4: {  	_ =	task.clear_ibuf [dreg:s8], $0x7FFFF;
	_ =	strace $0x90000046  }
0xb5: {  	s29 =	simm.s32 $0x9;
	_ =	strace $0x80000048  }
0xb6: {  	_ =	swait.ge [sflag:s29], $0x1  }
0xb7: {  	[sflag:s29] =	ssyncadd.s32 $0xFFFFFFFF  }
0xb8: {  	_ =	strace $0x90000048  }
0xb9: {  	_ =	sfence  }
0xba: {  	s30 =	sld [smem:$0x0];
	_ =	sdelay $0x2  }
0xbb: {  	s31 =	sshll.u32 s1, $0xD;
	s1 =	sshrl.u32 s1, $0x2  }
0xbc: {  	s3 =	sand.u32 $0x4000, s31;
	s1 =	sadd.s32 s1, s30  }
0xbd: {  	s0 =	sor.u32 s3, s0;
	s1 =	sshll.u32 s1, $0x11  }
0xbe: {  	s0 =	sor.u32 s1, s0  }
0xbf: {  	s0 =	sadd.s32 $0x8F2B, s0  }
0xc0: {  	[sflag:s0] =	ssyncadd.remote.s32 $0x1  }
0xc1: {  	_ =	sfence.sel $0xFFFF  }
0xc2: {  	[dreg:$0x0] =	wrdreg $0xFFFFFFFF;
	(pc) =	sbr.abs _section_cstart, $3  }
0xc3: {  	[dreg:$0x1] =	wrdreg $0xFFFFFFFF  }
0xc4: {  	_ =	task.clear_ibuf [dreg:s8], $0x2FFFF;
	_ =	strace $0x9FFFFFFF  }
0xc5: {  	(tm) =	ssettm $0x7FFFFFFF  }
tec
execute0_lowered:
.L_overlay_start_1:
0x0: {  	(tag) =	ssettag $0x1  }
0x1: {  	s1 =	rddreg [dreg:$0x0]  }
0x2: {  	s0 =	rddreg [dreg:$0x1]  }
0x3: {  	s3 =	rddreg [dreg:$0x2]  }
0x4: {  	s2 =	rddreg [dreg:$0x3]  }
0x5: {  	s4 =	srdreg.scid;
	s12 =	stileid.u32;
	s30 =	simm.s32 $0xA  }
0x6: {  	s28 =	simm.s32 $0x14000;
	s29 =	simm.s32 $0x13D00;
	s7 =	smul.u32 $0x13C00, s12  }
0x7: {  	s31 =	simm.s32 $0x1;
	s5 =	sand.u32 $0x1, s4;
	s16 =	smul.u32 $0x4F000, s12  }
0x8: {  	s4 =	simm.s32 $0x0;
	s9 =	sadd.s32 $0x1200, s3;
	s19 =	smul.u32 $0x2800, s12  }
0x9: {  	s10 =	sadd.s32 $0xB200, s3;
	s17 =	sshll.u32 s12, $0x6;
	s6 =	smul.u32 $0x13C000, s5  }
0xa: {  	[smem:$0x7FF] =	sst s4;
	s8 =	sshll.u32 s5, $0x4;
	s15 =	ssub.s32 $0x2, s5  }
0xb: {  	s5 =	smul.u32 $0x28000, s5;
	s20 =	sor.u32 $0x1C0D, s17;
	_ =	strace $0x80000047  }
0xc: {  	s8 =	sor.u32 s12, s8;
	[dreg:$0xd] =	wrdreg s10;
	s11 =	sshrl.u32 s15, $0x1  }
0xd: {  	s10 =	sshrl.u32 s16, $0x2;
	[dreg:$0xf] =	wrdreg s20;
	s6 =	sadd.s32 s7, s6  }
0xe: {  	s14 =	smul.u32 $0x2800, s8;
	s8 =	ssub.s32 s15, s11;
	s10 =	sadd.s32 s10, s2  }
0xf: {  	s5 =	sadd.s32 s19, s5;
	s11 =	simm.s32 $0x2;
	s6 =	sshrl.u32 s6, $0x3  }
0x10: {  	[dreg:$0xe] =	wrdreg s10;
	s26 =	sor.u32 $0x1C0, s5;
	s15 =	sor.u32 $0x180, s5  }
0x11: {  	s19 =	sor.u32 $0x140, s5;
	s5 =	sor.u32 $0x100, s5;
	s6 =	sadd.s32 s6, s3  }
0x12: {  	s7 =	sshrl.u32 s14, $0x3;
	s13 =	sshrl.u32 s26, $0x3;
	s17 =	sshrl.u32 s15, $0x3  }
0x13: {  	s5 =	sshrl.u32 s5, $0x3;
	s26 =	smax.u32 s8, $0x1;
	s8 =	simm.s32 $0xB  }
0x14: {  	s15 =	simm.s32 $0x6;
	s21 =	sadd.s32 s0, s7;
	[dreg:$0x1a] =	wrdreg s26  }
0x15: {  	s3 =	sadd.s32 s7, s3;
	s22 =	sadd.s32 s9, s7;
	[dreg:$0x10] =	wrdreg s21  }
0x16: {  	s18 =	sor.u32 $0x8, s7;
	s14 =	sadd.s32 s13, s9;
	[dreg:$0x11] =	wrdreg s22  }
0x17: {  	s24 =	sor.u32 $0x10, s7;
	s16 =	sadd.s32 s13, s0;
	[dreg:$0x5] =	wrdreg s14  }
0x18: {  	s7 =	sor.u32 $0x18, s7;
	s6 =	sadd.s32 $0x17A00, s6;
	[dreg:$0x6] =	wrdreg s16  }
0x19: {  	s26 =	simm.s32 $0x13E80;
	s23 =	sadd.s32 s0, s18;
	[dreg:$0x18] =	wrdreg s6  }
0x1a: {  	s13 =	simm.s32 $0x18000;
	s10 =	sadd.s32 s9, s18;
	[dreg:$0x12] =	wrdreg s23  }
0x1b: {  	s25 =	sadd.s32 s0, s24;
	s12 =	sadd.s32 s0, s7;
	[dreg:$0x13] =	wrdreg s10  }
0x1c: {  	s7 =	sadd.s32 s9, s7;
	s18 =	sadd.s32 s17, s9;
	[dreg:$0x14] =	wrdreg s25  }
0x1d: {  	s21 =	sadd.s32 s17, s0;
	s22 =	sshrl.u32 s19, $0x3;
	[dreg:$0x16] =	wrdreg s12  }
0x1e: {  	s3 =	sadd.s32 $0xDA00, s3;
	s14 =	simm.s32 $0x3;
	[dreg:$0x17] =	wrdreg s7  }
0x1f: {  	s16 =	simm.s32 $0x4;
	s17 =	simm.s32 $0x7;
	[dreg:$0x7] =	wrdreg s18  }
0x20: {  	s6 =	simm.s32 $0x13D80;
	s10 =	sadd.s32 s9, s24;
	[dreg:$0x8] =	wrdreg s21  }
0x21: {  	s23 =	sadd.s32 s22, s9;
	s24 =	sadd.s32 s22, s0;
	[dreg:$0x19] =	wrdreg s3  }
0x22: {  	s25 =	sadd.s32 s5, s9;
	s0 =	sadd.s32 s5, s0;
	[dreg:$0x15] =	wrdreg s10  }
0x23: {  	s3 =	simm.s32 $0x1C000;
	s12 =	simm.s32 $0xC;
	[dreg:$0x9] =	wrdreg s23  }
0x24: {  	s18 =	simm.s32 $0x8;
	s5 =	simm.s32 $0x0;
	[dreg:$0xa] =	wrdreg s24  }
0x25: {  	s22 =	simm.s32 $0x13E00;
	s9 =	simm.s32 $0x13F80;
	[dreg:$0xb] =	wrdreg s25  }
0x26: {  	s21 =	simm.s32 $0x5;
	[dreg:$0xc] =	wrdreg s0;
	s24 =	simm.s32 $0x9  }
0x27: {  	v0 =	vimm.f32 $0.0e+00;
	v1 =	vimm.f32 $1.000000000e+00;
	s25 =	simm.s32 $0x40;
	s0 =	simm.s32 $0x1;
	s23 =	simm.s32 $0x13C80  }
.LBB2_1:
0x28: {  	[dreg:$0x1b] =	wrdreg s5;
	s19 =	simm.s32 $0x40;
	s7 =	simm.s32 $0x0  }
.LBB2_2:
0x29: {  	p0 =	sne.s32 s19, $0x9FC0;
	[tilespmem:s7+$0x1C000] =	vst v0;
	s7 =	smov.u32 s19;
	s19 =	sadd.s32 $0x40, s19  }
.Ltmp0:
0x2a: {  	(pc) =	sbr.rel @p0 .LBB2_2-.Ltmp0, $2  }
0x2b: {  	_ =	sdelay $0x2  }
0x2c: {  	s7 =	sshra.s32 s7, $0x2  }
0x2d: {  	s10 =	rddreg [dreg:$0xe]  }
0x2e: {  	s19 =	rddreg [dreg:$0xd];
	s5 =	sshrl.u32 s10, $0x3  }
0x2f: {  	[tilespmem:s7+$0x1C000] =	vst v0;
	[dreg:$0x1c] =	wrdreg s5  }
0x30: {  	[spmem:s5], [sflag:s20] =	dma.local [hbm:s19], $0x2780  }
0x31: {  	s5 =	simm.s32 $0xD  }
0x32: {  	_ =	swait.ge [sflag:s5], $0x2780  }
0x33: {  	[sflag:s5] =	ssyncset.done $0x0  }
0x34: {  	[sflag:s5] =	ssyncadd.s32 $0xFFFFD880  }
0x35: {  	[bflag:$0x0] =	sbarrier.arrive $0xFFFF  }
0x36: {  	s19 =	simm.s32 $0x0;
	s5 =	simm.s32 $0x13C00;
	s10 =	rddreg [dreg:$0x10]  }
0x37: {  	[tilespmem:s5], [sflag:$0x9] =	stream.linear.gather [hbm4b:s10+s19], $0x40, $0x38;
	[tilespmem:$0x1E800] =	vst v63  }
0x38: {  	s20 =	rddreg [dreg:$0x11]  }
0x39: {  	[tilespmem:s22], [sflag:$0x9] =	stream.linear.gather [hbm4b:s20+s19], $0x40, $0x38;
	[tilespmem:$0x1E800] =	vst v63  }
0x3a: {  	s10 =	rddreg [dreg:$0x12]  }
0x3b: {  	[tilespmem:s23], [sflag:$0xA] =	stream.linear.gather [hbm4b:s10+s19], $0x40, $0x38;
	[tilespmem:$0x1E800] =	vst v63  }
0x3c: {  	s20 =	rddreg [dreg:$0x13]  }
0x3d: {  	[tilespmem:s26], [sflag:$0xA] =	stream.linear.gather [hbm4b:s20+s19], $0x40, $0x38;
	[tilespmem:$0x1E800] =	vst v63  }
0x3e: {  	_ =	swait.ge [sflag:s24], $0x40  }
0x3f: {  	[sflag:s24] =	ssyncset.done $0x0  }
0x40: {  	[sflag:s24] =	ssyncadd.s32 $0xFFFFFFC0  }
0x41: {  	_ =	swait.ge [sflag:s24], $0x40  }
0x42: {  	[sflag:s24] =	ssyncset.done $0x0  }
0x43: {  	[sflag:s24] =	ssyncadd.s32 $0xFFFFFFC0  }
0x44: {  	[tilespmem:s28], [sflag:$0x1] =	stream.indirect.gather [hbm4b:s1+s25], $0x80, s5, s25, $0xb8;
	[tilespmem:$0x1E800] =	vst v63  }
0x45: {  	s5 =	rddreg [dreg:$0x14]  }
0x46: {  	[tilespmem:s29], [sflag:$0xB] =	stream.linear.gather [hbm4b:s5+s19], $0x40, $0x38;
	[tilespmem:$0x1E800] =	vst v63  }
0x47: {  	s20 =	simm.s32 $0x13F00;
	s10 =	rddreg [dreg:$0x15]  }
0x48: {  	[tilespmem:s20], [sflag:$0xB] =	stream.linear.gather [hbm4b:s10+s19], $0x40, $0x38;
	[tilespmem:$0x1E800] =	vst v63  }
0x49: {  	_ =	swait.ge [sflag:s30], $0x40  }
0x4a: {  	[sflag:s30] =	ssyncset.done $0x0  }
0x4b: {  	[sflag:s30] =	ssyncadd.s32 $0xFFFFFFC0  }
0x4c: {  	_ =	swait.ge [sflag:s30], $0x40  }
0x4d: {  	[sflag:s30] =	ssyncset.done $0x0  }
0x4e: {  	s5 =	simm.s32 $0x16000;
	[sflag:s30] =	ssyncadd.s32 $0xFFFFFFC0  }
0x4f: {  	[tilespmem:s5], [sflag:$0x2] =	stream.indirect.gather [hbm4b:s1+s25], $0x80, s23, s25, $0xb8;
	[tilespmem:$0x1E800] =	vst v63  }
0x50: {  	_ =	swait.ge [sflag:s0], $0x2000  }
0x51: {  	[sflag:s0] =	ssyncset.done $0x0  }
0x52: {  	[sflag:s0] =	ssyncadd.s32 $0xFFFFE000  }
0x53: {  	[spmem:s2] =	stream.indirect.scatter.add.f32 [tilespmem:s28], [sflag:$0x5], $0x80, s22, s25, $0xb8;
	[tilespmem:$0x1E800] =	vst v63  }
0x54: {  	v2 =	vld [tilespmem:$0x13E00];
	_ =	sdelay $0x7  }
0x55: {  	[tilespmem:v2+s3+$0x0] =	vst.idx.add.f32.msk $0xffff, v1  }
0x56: {  	v2 =	vld [tilespmem:$0x13E10];
	_ =	sdelay $0x7  }
0x57: {  	[tilespmem:v2+s3+$0x0] =	vst.idx.add.f32.msk $0xffff, v1  }
0x58: {  	v2 =	vld [tilespmem:$0x13E20];
	_ =	sdelay $0x7  }
0x59: {  	[tilespmem:v2+s3+$0x0] =	vst.idx.add.f32.msk $0xffff, v1  }
0x5a: {  	v2 =	vld [tilespmem:$0x13E30];
	_ =	sdelay $0x7  }
0x5b: {  	s10 =	rddreg [dreg:$0x16];
	[tilespmem:v2+s3+$0x0] =	vst.idx.add.f32.msk $0xffff, v1  }
0x5c: {  	[tilespmem:s6], [sflag:$0xC] =	stream.linear.gather [hbm4b:s10+s19], $0x40, $0x38;
	[tilespmem:$0x1E800] =	vst v63  }
0x5d: {  	s20 =	rddreg [dreg:$0x17]  }
0x5e: {  	[tilespmem:s9], [sflag:$0xC] =	stream.linear.gather [hbm4b:s20+s19], $0x40, $0x38;
	[tilespmem:$0x1E800] =	vst v63  }
0x5f: {  	_ =	swait.ge [sflag:s8], $0x40  }
0x60: {  	[sflag:s8] =	ssyncset.done $0x0  }
0x61: {  	[sflag:s8] =	ssyncadd.s32 $0xFFFFFFC0  }
0x62: {  	_ =	swait.ge [sflag:s8], $0x40  }
0x63: {  	[sflag:s8] =	ssyncset.done $0x0  }
0x64: {  	[sflag:s8] =	ssyncadd.s32 $0xFFFFFFC0  }
0x65: {  	[tilespmem:s13], [sflag:$0x3] =	stream.indirect.gather [hbm4b:s1+s25], $0x80, s29, s25, $0xb8;
	[tilespmem:$0x1E800] =	vst v63  }
0x66: {  	_ =	swait.ge [sflag:s11], $0x2000  }
0x67: {  	[sflag:s11] =	ssyncset.done $0x0  }
0x68: {  	[sflag:s11] =	ssyncadd.s32 $0xFFFFE000  }
0x69: {  	[spmem:s2] =	stream.indirect.scatter.add.f32 [tilespmem:s5], [sflag:$0x6], $0x80, s26, s25, $0xb8;
	[tilespmem:$0x1E800] =	vst v63  }
0x6a: {  	v2 =	vld [tilespmem:$0x13E80];
	_ =	sdelay $0x7  }
0x6b: {  	[tilespmem:v2+s3+$0x0] =	vst.idx.add.f32.msk $0xffff, v1  }
0x6c: {  	v2 =	vld [tilespmem:$0x13E90];
	_ =	sdelay $0x7  }
0x6d: {  	[tilespmem:v2+s3+$0x0] =	vst.idx.add.f32.msk $0xffff, v1  }
0x6e: {  	v2 =	vld [tilespmem:$0x13EA0];
	_ =	sdelay $0x7  }
0x6f: {  	[tilespmem:v2+s3+$0x0] =	vst.idx.add.f32.msk $0xffff, v1  }
0x70: {  	v2 =	vld [tilespmem:$0x13EB0];
	_ =	sdelay $0x7  }
0x71: {  	s0 =	simm.s32 $0x1A000;
	[tilespmem:v2+s3+$0x0] =	vst.idx.add.f32.msk $0xffff, v1  }
.LBB2_4:
0x72: {  	_ =	swait.ge [sflag:s21], $0x2000  }
0x73: {  	s10 =	simm.s32 $0x13C00;
	s7 =	rddreg [dreg:$0xc];
	[sflag:s21] =	ssyncset.done $0x0  }
0x74: {  	s20 =	rddreg [dreg:$0xb];
	[sflag:s21] =	ssyncadd.s32 $0xFFFFE000;
	s7 =	sadd.s32 s19, s7  }
0x75: {  	[tilespmem:s10], [sflag:$0x9] =	stream.linear.gather [hbm4b:s7+s4], $0x40, $0x38;
	[tilespmem:$0x1E800] =	vst v63  }
0x76: {  	s11 =	sadd.s32 s19, s20  }
0x77: {  	[tilespmem:s22], [sflag:$0x9] =	stream.linear.gather [hbm4b:s11+s4], $0x40, $0x38;
	[tilespmem:$0x1E800] =	vst v63  }
0x78: {  	_ =	swait.ge [sflag:s12], $0x40  }
0x79: {  	[sflag:s12] =	ssyncset.done $0x0  }
0x7a: {  	[sflag:s12] =	ssyncadd.s32 $0xFFFFFFC0  }
0x7b: {  	_ =	swait.ge [sflag:s12], $0x40  }
0x7c: {  	[sflag:s12] =	ssyncset.done $0x0  }
0x7d: {  	[sflag:s12] =	ssyncadd.s32 $0xFFFFFFC0  }
0x7e: {  	[tilespmem:s0], [sflag:$0x4] =	stream.indirect.gather [hbm4b:s1+s25], $0x80, s6, s25, $0xb8;
	[tilespmem:$0x1E800] =	vst v63  }
0x7f: {  	_ =	swait.ge [sflag:s14], $0x2000  }
0x80: {  	[sflag:s14] =	ssyncset.done $0x0  }
0x81: {  	s11 =	simm.s32 $0x13F00;
	[sflag:s14] =	ssyncadd.s32 $0xFFFFE000  }
0x82: {  	[spmem:s2] =	stream.indirect.scatter.add.f32 [tilespmem:s13], [sflag:$0x7], $0x80, s11, s25, $0xb8;
	[tilespmem:$0x1E800] =	vst v63  }
0x83: {  	v2 =	vld [tilespmem:$0x13F00];
	_ =	sdelay $0x7  }
0x84: {  	[tilespmem:v2+s3+$0x0] =	vst.idx.add.f32.msk $0xffff, v1  }
0x85: {  	v2 =	vld [tilespmem:$0x13F10];
	_ =	sdelay $0x7  }
0x86: {  	[tilespmem:v2+s3+$0x0] =	vst.idx.add.f32.msk $0xffff, v1  }
0x87: {  	v2 =	vld [tilespmem:$0x13F20];
	_ =	sdelay $0x7  }
0x88: {  	[tilespmem:v2+s3+$0x0] =	vst.idx.add.f32.msk $0xffff, v1  }
0x89: {  	v2 =	vld [tilespmem:$0x13F30];
	_ =	sdelay $0x7  }
0x8a: {  	[tilespmem:v2+s3+$0x0] =	vst.idx.add.f32.msk $0xffff, v1  }
0x8b: {  	_ =	swait.ge [sflag:s15], $0x2000  }
0x8c: {  	s7 =	rddreg [dreg:$0xa];
	[sflag:s15] =	ssyncset.done $0x0  }
0x8d: {  	s20 =	rddreg [dreg:$0x9];
	[sflag:s15] =	ssyncadd.s32 $0xFFFFE000;
	s7 =	sadd.s32 s19, s7  }
0x8e: {  	[tilespmem:s23], [sflag:$0xA] =	stream.linear.gather [hbm4b:s7+s4], $0x40, $0x38;
	[tilespmem:$0x1E800] =	vst v63  }
0x8f: {  	s20 =	sadd.s32 s19, s20  }
0x90: {  	[tilespmem:s26], [sflag:$0xA] =	stream.linear.gather [hbm4b:s20+s4], $0x40, $0x38;
	[tilespmem:$0x1E800] =	vst v63  }
0x91: {  	_ =	swait.ge [sflag:s24], $0x40  }
0x92: {  	[sflag:s24] =	ssyncset.done $0x0  }
0x93: {  	[sflag:s24] =	ssyncadd.s32 $0xFFFFFFC0  }
0x94: {  	_ =	swait.ge [sflag:s24], $0x40  }
0x95: {  	[sflag:s24] =	ssyncset.done $0x0  }
0x96: {  	[sflag:s24] =	ssyncadd.s32 $0xFFFFFFC0  }
0x97: {  	[tilespmem:s28], [sflag:$0x1] =	stream.indirect.gather [hbm4b:s1+s25], $0x80, s10, s25, $0xb8;
	[tilespmem:$0x1E800] =	vst v63  }
0x98: {  	_ =	swait.ge [sflag:s16], $0x2000  }
0x99: {  	[sflag:s16] =	ssyncset.done $0x0  }
0x9a: {  	[sflag:s16] =	ssyncadd.s32 $0xFFFFE000  }
0x9b: {  	[spmem:s2] =	stream.indirect.scatter.add.f32 [tilespmem:s0], [sflag:$0x8], $0x80, s9, s25, $0xb8;
	[tilespmem:$0x1E800] =	vst v63  }
0x9c: {  	v2 =	vld [tilespmem:$0x13F80];
	_ =	sdelay $0x7  }
0x9d: {  	[tilespmem:v2+s3+$0x0] =	vst.idx.add.f32.msk $0xffff, v1  }
0x9e: {  	v2 =	vld [tilespmem:$0x13F90];
	_ =	sdelay $0x7  }
0x9f: {  	[tilespmem:v2+s3+$0x0] =	vst.idx.add.f32.msk $0xffff, v1  }
0xa0: {  	v2 =	vld [tilespmem:$0x13FA0];
	_ =	sdelay $0x7  }
0xa1: {  	[tilespmem:v2+s3+$0x0] =	vst.idx.add.f32.msk $0xffff, v1  }
0xa2: {  	v2 =	vld [tilespmem:$0x13FB0];
	_ =	sdelay $0x7  }
0xa3: {  	[tilespmem:v2+s3+$0x0] =	vst.idx.add.f32.msk $0xffff, v1  }
0xa4: {  	_ =	swait.ge [sflag:s17], $0x2000  }
0xa5: {  	s20 =	rddreg [dreg:$0x8];
	[sflag:s17] =	ssyncset.done $0x0  }
0xa6: {  	s10 =	rddreg [dreg:$0x7];
	[sflag:s17] =	ssyncadd.s32 $0xFFFFE000;
	s7 =	sadd.s32 s19, s20  }
0xa7: {  	[tilespmem:s29], [sflag:$0xB] =	stream.linear.gather [hbm4b:s7+s4], $0x40, $0x38;
	[tilespmem:$0x1E800] =	vst v63  }
0xa8: {  	s20 =	sadd.s32 s19, s10  }
0xa9: {  	[tilespmem:s11], [sflag:$0xB] =	stream.linear.gather [hbm4b:s20+s4], $0x40, $0x38;
	[tilespmem:$0x1E800] =	vst v63  }
0xaa: {  	_ =	swait.ge [sflag:s30], $0x40  }
0xab: {  	[sflag:s30] =	ssyncset.done $0x0  }
0xac: {  	[sflag:s30] =	ssyncadd.s32 $0xFFFFFFC0  }
0xad: {  	_ =	swait.ge [sflag:s30], $0x40  }
0xae: {  	[sflag:s30] =	ssyncset.done $0x0  }
0xaf: {  	[sflag:s30] =	ssyncadd.s32 $0xFFFFFFC0  }
0xb0: {  	[tilespmem:s5], [sflag:$0x2] =	stream.indirect.gather [hbm4b:s1+s25], $0x80, s23, s25, $0xb8;
	[tilespmem:$0x1E800] =	vst v63  }
0xb1: {  	_ =	swait.ge [sflag:s31], $0x2000  }
0xb2: {  	[sflag:s31] =	ssyncset.done $0x0  }
0xb3: {  	[sflag:s31] =	ssyncadd.s32 $0xFFFFE000  }
0xb4: {  	[spmem:s2] =	stream.indirect.scatter.add.f32 [tilespmem:s28], [sflag:$0x5], $0x80, s22, s25, $0xb8;
	[tilespmem:$0x1E800] =	vst v63  }
0xb5: {  	v2 =	vld [tilespmem:$0x13E00];
	_ =	sdelay $0x7  }
0xb6: {  	[tilespmem:v2+s3+$0x0] =	vst.idx.add.f32.msk $0xffff, v1  }
0xb7: {  	v2 =	vld [tilespmem:$0x13E10];
	_ =	sdelay $0x7  }
0xb8: {  	[tilespmem:v2+s3+$0x0] =	vst.idx.add.f32.msk $0xffff, v1  }
0xb9: {  	v2 =	vld [tilespmem:$0x13E20];
	_ =	sdelay $0x7  }
0xba: {  	[tilespmem:v2+s3+$0x0] =	vst.idx.add.f32.msk $0xffff, v1  }
0xbb: {  	v2 =	vld [tilespmem:$0x13E30];
	_ =	sdelay $0x7  }
0xbc: {  	[tilespmem:v2+s3+$0x0] =	vst.idx.add.f32.msk $0xffff, v1  }
0xbd: {  	_ =	swait.ge [sflag:s18], $0x2000  }
0xbe: {  	s7 =	rddreg [dreg:$0x6];
	[sflag:s18] =	ssyncset.done $0x0  }
0xbf: {  	s20 =	rddreg [dreg:$0x5];
	[sflag:s18] =	ssyncadd.s32 $0xFFFFE000;
	s7 =	sadd.s32 s19, s7  }
0xc0: {  	[tilespmem:s6], [sflag:$0xC] =	stream.linear.gather [hbm4b:s7+s4], $0x40, $0x38;
	[tilespmem:$0x1E800] =	vst v63  }
0xc1: {  	s20 =	sadd.s32 s19, s20  }
0xc2: {  	[tilespmem:s9], [sflag:$0xC] =	stream.linear.gather [hbm4b:s20+s4], $0x40, $0x38;
	[tilespmem:$0x1E800] =	vst v63  }
0xc3: {  	_ =	swait.ge [sflag:s8], $0x40  }
0xc4: {  	[sflag:s8] =	ssyncset.done $0x0  }
0xc5: {  	[sflag:s8] =	ssyncadd.s32 $0xFFFFFFC0  }
0xc6: {  	_ =	swait.ge [sflag:s8], $0x40  }
0xc7: {  	[sflag:s8] =	ssyncset.done $0x0  }
0xc8: {  	s11 =	simm.s32 $0x2;
	[sflag:s8] =	ssyncadd.s32 $0xFFFFFFC0  }
0xc9: {  	[tilespmem:s13], [sflag:$0x3] =	stream.indirect.gather [hbm4b:s1+s25], $0x80, s29, s25, $0xb8;
	[tilespmem:$0x1E800] =	vst v63  }
0xca: {  	_ =	swait.ge [sflag:s11], $0x2000  }
0xcb: {  	[sflag:s11] =	ssyncset.done $0x0  }
0xcc: {  	[sflag:s11] =	ssyncadd.s32 $0xFFFFE000  }
0xcd: {  	[spmem:s2] =	stream.indirect.scatter.add.f32 [tilespmem:s5], [sflag:$0x6], $0x80, s26, s25, $0xb8;
	[tilespmem:$0x1E800] =	vst v63  }
0xce: {  	v2 =	vld [tilespmem:$0x13E80];
	_ =	sdelay $0x7  }
0xcf: {  	[tilespmem:v2+s3+$0x0] =	vst.idx.add.f32.msk $0xffff, v1  }
0xd0: {  	v2 =	vld [tilespmem:$0x13E90];
	_ =	sdelay $0x7  }
0xd1: {  	[tilespmem:v2+s3+$0x0] =	vst.idx.add.f32.msk $0xffff, v1  }
0xd2: {  	v2 =	vld [tilespmem:$0x13EA0];
	_ =	sdelay $0x7  }
0xd3: {  	[tilespmem:v2+s3+$0x0] =	vst.idx.add.f32.msk $0xffff, v1  }
0xd4: {  	v2 =	vld [tilespmem:$0x13EB0];
	_ =	sdelay $0x2  }
0xd5: {  	p0 =	sne.s32 s19, $0x4C0  }
.Ltmp1:
0xd6: {  	_ = 	snop;
	(pc) =	sbr.rel @p0 .LBB2_4-.Ltmp1, $2  }
0xd7: {  	_ =	sdelay $0x2  }
0xd8: {  	s10 =	simm.s32 $0x13F00;
	s19 =	sadd.s32 $0x20, s19;
	[tilespmem:v2+s3+$0x0] =	vst.idx.add.f32.msk $0xffff, v1  }
0xd9: {  	_ =	swait.ge [sflag:s21], $0x2000  }
0xda: {  	[sflag:s21] =	ssyncset.done $0x0  }
0xdb: {  	[sflag:s21] =	ssyncadd.s32 $0xFFFFE000  }
0xdc: {  	_ =	swait.ge [sflag:s12], $0x40  }
0xdd: {  	[sflag:s12] =	ssyncset.done $0x0  }
0xde: {  	[sflag:s12] =	ssyncadd.s32 $0xFFFFFFC0  }
0xdf: {  	_ =	swait.ge [sflag:s12], $0x40  }
0xe0: {  	[sflag:s12] =	ssyncset.done $0x0  }
0xe1: {  	[sflag:s12] =	ssyncadd.s32 $0xFFFFFFC0  }
0xe2: {  	[tilespmem:s0], [sflag:$0x4] =	stream.indirect.gather [hbm4b:s1+s25], $0x80, s6, s25, $0xb8;
	[tilespmem:$0x1E800] =	vst v63  }
0xe3: {  	_ =	swait.ge [sflag:s14], $0x2000  }
0xe4: {  	[sflag:s14] =	ssyncset.done $0x0  }
0xe5: {  	[sflag:s14] =	ssyncadd.s32 $0xFFFFE000  }
0xe6: {  	[spmem:s2] =	stream.indirect.scatter.add.f32 [tilespmem:s13], [sflag:$0x7], $0x80, s10, s25, $0xb8;
	[tilespmem:$0x1E800] =	vst v63  }
0xe7: {  	v2 =	vld [tilespmem:$0x13F00];
	_ =	sdelay $0x7  }
0xe8: {  	[tilespmem:v2+s3+$0x0] =	vst.idx.add.f32.msk $0xffff, v1  }
0xe9: {  	v2 =	vld [tilespmem:$0x13F10];
	_ =	sdelay $0x7  }
0xea: {  	[tilespmem:v2+s3+$0x0] =	vst.idx.add.f32.msk $0xffff, v1  }
0xeb: {  	v2 =	vld [tilespmem:$0x13F20];
	_ =	sdelay $0x7  }
0xec: {  	[tilespmem:v2+s3+$0x0] =	vst.idx.add.f32.msk $0xffff, v1  }
0xed: {  	v2 =	vld [tilespmem:$0x13F30];
	_ =	sdelay $0x7  }
0xee: {  	[tilespmem:v2+s3+$0x0] =	vst.idx.add.f32.msk $0xffff, v1  }
0xef: {  	_ =	swait.ge [sflag:s15], $0x2000  }
0xf0: {  	[sflag:s15] =	ssyncset.done $0x0  }
0xf1: {  	[sflag:s15] =	ssyncadd.s32 $0xFFFFE000  }
0xf2: {  	_ =	swait.ge [sflag:s16], $0x2000  }
0xf3: {  	[sflag:s16] =	ssyncset.done $0x0  }
0xf4: {  	[sflag:s16] =	ssyncadd.s32 $0xFFFFE000  }
0xf5: {  	[spmem:s2] =	stream.indirect.scatter.add.f32 [tilespmem:s0], [sflag:$0x8], $0x80, s9, s25, $0xb8;
	[tilespmem:$0x1E800] =	vst v63  }
0xf6: {  	v2 =	vld [tilespmem:$0x13F80];
	_ =	sdelay $0x7  }
0xf7: {  	[tilespmem:v2+s3+$0x0] =	vst.idx.add.f32.msk $0xffff, v1  }
0xf8: {  	v2 =	vld [tilespmem:$0x13F90];
	_ =	sdelay $0x7  }
0xf9: {  	[tilespmem:v2+s3+$0x0] =	vst.idx.add.f32.msk $0xffff, v1  }
0xfa: {  	v2 =	vld [tilespmem:$0x13FA0];
	_ =	sdelay $0x7  }
0xfb: {  	[tilespmem:v2+s3+$0x0] =	vst.idx.add.f32.msk $0xffff, v1  }
0xfc: {  	v2 =	vld [tilespmem:$0x13FB0];
	_ =	sdelay $0x7  }
0xfd: {  	[tilespmem:v2+s3+$0x0] =	vst.idx.add.f32.msk $0xffff, v1  }
0xfe: {  	_ =	swait.ge [sflag:s17], $0x2000  }
0xff: {  	[sflag:s17] =	ssyncset.done $0x0  }
0x100: {  	[sflag:s17] =	ssyncadd.s32 $0xFFFFE000  }
0x101: {  	_ =	swait.ge [sflag:s18], $0x2000  }
0x102: {  	[sflag:s18] =	ssyncset.done $0x0  }
0x103: {  	[sflag:s18] =	ssyncadd.s32 $0xFFFFE000  }
0x104: {  	[bflag:$0x0] =	sbarrier.arrive $0xFFFF  }
0x105: {  	s20 =	rddreg [dreg:$0xf]  }
0x106: {  	s7 =	rddreg [dreg:$0x18]  }
0x107: {  	s19 =	rddreg [dreg:$0x1c]  }
0x108: {  	[hbm:s7], [sflag:s20] =	dma.local [spmem:s19], $0x2780  }
0x109: {  	s19 =	simm.s32 $0xD  }
0x10a: {  	_ =	swait.ge [sflag:s19], $0x2780  }
0x10b: {  	[sflag:s19] =	ssyncset.done $0x0  }
0x10c: {  	s5 =	rddreg [dreg:$0x19];
	[sflag:s19] =	ssyncadd.s32 $0xFFFFD880  }
0x10d: {  	[hbm4b:s5+s4] =	stream.linear.scatter [tilespmem:s3], [sflag:$0xD], $0x2800, $0x38;
	[tilespmem:$0x1E800] =	vst v63  }
0x10e: {  	_ =	swait.ge [sflag:s19], $0x2800  }
0x10f: {  	s5 =	rddreg [dreg:$0x1b]  }
0x110: {  	s10 =	rddreg [dreg:$0x1a];
	s5 =	sadd.s32 $0x1, s5  }
0x111: {  	p0 =	sne.s32 s5, s10  }
.Ltmp2:
0x112: {  	_ = 	snop;
	(pc) =	sbr.rel @p0 .LBB2_1-.Ltmp2, $3  }
0x113: {  	_ =	sdelay $0x1  }
0x114: {  	[sflag:s19] =	ssyncset.done $0x0  }
0x115: {  	s0 =	simm.s32 $0x1;
	[sflag:s19] =	ssyncadd.s32 $0xFFFFD800  }
0x116: {  	_ =	sfence.sel $0x180000  }
0x117: {  	[bflag:$0x0] =	sbarrier.arrive $0xFFFF  }
0x118: {  	_ =	strace $0x90000047  }
0x119: {  	s0 =	stileid.u32;
	[bflag:$0x2] =	sbarrier.arrive $0xFFFF  }
0x11a: {  	p0 =	sne.s32 s0, $0x0;
	s0 =	rddreg [dreg:$0x4]  }
0x11b: {  	s0 =	sadd.s32 @!p0 $0x100000, s0  }
0x11c: {  	[sflag:s0] =	ssyncadd.tile.s32 @!p0 $0x1;
	_ =	shalt  }
.Lfunc_end2:
_tile_overlayer_lowered:
.L_overlay_start_2:
0x11d: {  	(tag) =	ssettag $0x2  }
0x11e: {  	s0 =	rddreg [dreg:$0x0];
	s2 =	stileid.u32  }
0x11f: {  	s1 =	rddreg [dreg:$0x1];
	p0 =	sne.s32 s2, $0x0  }
0x120: {  	s3 =	rddreg [dreg:$0x2];
	[bflag:$0x3] =	sbarrier.arrive $0xFFFF;
	s2 =	simm.s32 @!p0 $0x1C0D  }
0x121: {  	[timem:s3], [sflag:s2] =	dma.local @!p0 [hbm:s0], s1  }
0x122: {  	s0 =	simm.s32 @!p0 $0xD  }
0x123: {  	_ =	swait.ge @!p0 [sflag:s0], s1  }
0x124: {  	s1 =	ssub.s32 @!p0 $0x0, s1;
	[sflag:s0] =	ssyncset.done @!p0 $0x0  }
0x125: {  	[sflag:s0] =	ssyncadd.s32 @!p0 s1  }
0x126: {  	[bflag:$0x3] =	sbarrier.arrive $0xFFFF  }
0x127: {  	_ =	shalt  }

</sc_bundles>
